<compile_context>
chip_gen: v7x
topology: tpu7x:2x2x1
jax: 0.10.2.dev20260603
libtpu: 0.0.44.dev20260713+nightly
codegen_flags: <defaults>
</compile_context>

<pallas_src>
import functools

import jax
import jax.numpy as jnp
from jax import lax
from jax.experimental import pallas as pl
from jax.experimental.pallas import tpu as pltpu
from jax.experimental.pallas import tpu_sc as plsc

NUM_CODES = 1024
DIM = 64
BATCH = 16
TOKENS = 1024
COMMITMENT_COST = 0.25
IMGS_PER_STEP = 4
SCR_W = 195
C_E2 = DIM
C_EMB = 128
C_KHI = C_EMB + DIM
X_ROWS = DIM + 3

N_WORKERS = 32
TOK_PER_W = (BATCH * TOKENS) // N_WORKERS


def _vq_body(x_ref, emb_ref, loss_ref, idx_ref, cb_ref, xa_ref):
    b = pl.program_id(0)

    @pl.when(b == 0)
    def _setup():
        emb = emb_ref[...]
        en = -2.0 * emb
        kcol = jax.lax.broadcasted_iota(jnp.int32, (NUM_CODES, 1), 0)
        cb_ref[:, 0:DIM] = en
        e2 = 0.25 * jnp.sum(en * en, axis=1, keepdims=True)
        e2h = e2.astype(jnp.bfloat16).astype(jnp.float32)
        r1 = e2 - e2h
        e2m = r1.astype(jnp.bfloat16).astype(jnp.float32)
        cb_ref[:, C_E2:C_E2 + 1] = e2h
        cb_ref[:, C_E2 + 1:C_E2 + 2] = e2m
        cb_ref[:, C_E2 + 2:C_E2 + 3] = r1 - e2m
        cb_ref[:, C_EMB:C_EMB + DIM] = emb
        cb_ref[:, C_KHI:C_KHI + 1] = ((kcol // 32) * 32).astype(jnp.float32)
        cb_ref[:, C_KHI + 1:C_KHI + 2] = (kcol % 32).astype(jnp.float32)
        cb_ref[:, C_KHI + 2:C_KHI + 3] = jnp.ones((NUM_CODES, 1), jnp.float32)
        for j in range(IMGS_PER_STEP):
            xa_ref[j, DIM:X_ROWS, :] = jnp.ones((3, TOKENS), jnp.float32)
        loss_ref[0, 0] = 0.0

    en_e2 = cb_ref[:, 0:X_ROWS]
    gmat = cb_ref[:, C_KHI:SCR_W]

    sse = jnp.float32(0.0)
    cnt_max = jnp.zeros((TOKENS,), jnp.float32)
    for j in range(IMGS_PER_STEP):
        xa_ref[j, 0:DIM, :] = x_ref[j]
        xa = xa_ref[j]
        d = jax.lax.dot_general(en_e2, xa, (((1,), (0,)), ((), ())),
                                preferred_element_type=jnp.float32)
        dmin = jnp.min(d, axis=0)
        onehot = jnp.where(d == dmin[None, :], 1.0, 0.0)
        g = jax.lax.dot_general(gmat, onehot, (((0,), (0,)), ((), ())),
                                preferred_element_type=jnp.float32)
        idx_ref[j, 0] = (g[0] + g[1]).astype(jnp.int32)
        cnt_max = jnp.maximum(cnt_max, g[2])
        x = x_ref[j]
        sse += jnp.sum(dmin) + jnp.sum(x * x)

    loss_ref[0, 0] += sse

    @pl.when(b == pl.num_programs(0) - 1)
    def _finish():
        loss_ref[0, 0] *= (1.0 + COMMITMENT_COST) / (BATCH * TOKENS * DIM)

    tie = jnp.any(cnt_max > 1.5)

    @pl.when(tie)
    def _fixup():
        for j in range(IMGS_PER_STEP):
            xa = xa_ref[j]
            d = jax.lax.dot_general(en_e2, xa, (((1,), (0,)), ((), ())),
                                    preferred_element_type=jnp.float32)
            dmin = jnp.min(d, axis=0)
            code_iota = jax.lax.broadcasted_iota(
                jnp.int32, (NUM_CODES, TOKENS), 0)
            idx2 = jnp.min(jnp.where(d == dmin[None, :], code_iota, NUM_CODES),
                           axis=0)
            idx_ref[j, 0] = idx2


def _sc_gather_body(table_hbm, idx_hbm, out_hbm, idx_v, rows_v, sem):
    wid = lax.axis_index("s") * 2 + lax.axis_index("c")
    base = wid * TOK_PER_W
    pltpu.sync_copy(idx_hbm.at[pl.ds(base, TOK_PER_W)], idx_v)
    pltpu.async_copy(table_hbm.at[idx_v], rows_v, sem).wait()
    pltpu.sync_copy(rows_v, out_hbm.at[pl.ds(base, TOK_PER_W)])


_sc_gather = functools.partial(
    pl.kernel,
    mesh=plsc.VectorSubcoreMesh(core_axis_name="c", subcore_axis_name="s"),
    out_type=jax.ShapeDtypeStruct((BATCH * TOKENS, 128), jnp.float32),
    scratch_types=[
        pltpu.VMEM((TOK_PER_W,), jnp.int32),
        pltpu.VMEM((TOK_PER_W, 128), jnp.float32),
        pltpu.SemaphoreType.DMA,
    ],
)(_sc_gather_body)


def _tr_body(qin_ref, qout_ref):
    qout_ref[0] = qin_ref[0, :, 0:DIM].T


def kernel(inputs, emb_w):
    x3 = inputs.reshape(BATCH, DIM, TOKENS)
    loss2d, idx3 = pl.pallas_call(
        _vq_body,
        grid=(BATCH // IMGS_PER_STEP,),
        in_specs=[
            pl.BlockSpec((IMGS_PER_STEP, DIM, TOKENS), lambda b: (b, 0, 0)),
            pl.BlockSpec((NUM_CODES, DIM), lambda b: (0, 0)),
        ],
        out_specs=[
            pl.BlockSpec(memory_space=pltpu.SMEM),
            pl.BlockSpec((IMGS_PER_STEP, 1, TOKENS), lambda b: (b, 0, 0)),
        ],
        out_shape=[
            jax.ShapeDtypeStruct((1, 1), jnp.float32),
            jax.ShapeDtypeStruct((BATCH, 1, TOKENS), jnp.int32),
        ],
        scratch_shapes=[
            pltpu.VMEM((NUM_CODES, SCR_W), jnp.float32),
            pltpu.VMEM((IMGS_PER_STEP, X_ROWS, TOKENS), jnp.float32),
        ],
    )(x3, emb_w)
    loss = loss2d[0, 0]
    encoding_indices = idx3.reshape(BATCH * TOKENS)[:, None]

    table128 = jnp.concatenate(
        [emb_w, jnp.zeros((NUM_CODES, 128 - DIM), jnp.float32)], axis=1)
    q_flat = _sc_gather(table128, idx3.reshape(BATCH * TOKENS))

    q3 = pl.pallas_call(
        _tr_body,
        grid=(BATCH,),
        in_specs=[pl.BlockSpec((1, TOKENS, 128), lambda b: (b, 0, 0))],
        out_specs=pl.BlockSpec((1, DIM, TOKENS), lambda b: (b, 0, 0)),
        out_shape=jax.ShapeDtypeStruct((BATCH, DIM, TOKENS), jnp.float32),
    )(q_flat.reshape(BATCH, TOKENS, 128))
    quantized_out = q3.reshape(BATCH, DIM, 32, 32)
    return (loss, quantized_out, encoding_indices)

# --- scband reference (transcript-rebuilt; emitter-appended) ---
"""Pipeline reference for scband-vector-quantizer-ema-21320217657914 (READ-ONLY COPY).

The authoritative reference and input builder live on the scoring server;
editing this copy changes nothing except your own understanding.
"""

import jax, jax.numpy as jnp
import numpy as np

NUM_EMBEDDINGS = 1024
EMBEDDING_DIM = 64
COMMITMENT_COST = 0.25


def setup_inputs(seed: int = 0) -> dict:
    key = jax.random.key(seed)
    k1, k2 = jax.random.split(key)
    inputs = jax.random.normal(k1, (16, 64, 32, 32), dtype=jnp.float32)
    emb_w = jax.random.normal(k2, (NUM_EMBEDDINGS, EMBEDDING_DIM), dtype=jnp.float32)
    return {"inputs": inputs, "emb_w": emb_w}


def reference(inputs, emb_w):
    # permute BCHW -> BHWC
    x = jnp.transpose(inputs, (0, 2, 3, 1))
    input_shape = x.shape
    flat_input = x.reshape(-1, EMBEDDING_DIM)
    # squared L2 distances to codebook entries
    distances = (
        jnp.sum(flat_input ** 2, axis=1, keepdims=True)
        + jnp.sum(emb_w ** 2, axis=1)
        - 2.0 * jnp.matmul(flat_input, emb_w.T)
    )
    encoding_indices = jnp.argmin(distances, axis=1)
    # one-hot matmul in torch == gather of rows
    quantized = jnp.take(emb_w, encoding_indices, axis=0).reshape(input_shape)
    e_latent_loss = jnp.mean((jax.lax.stop_gradient(quantized) - x) ** 2)
    q_latent_loss = jnp.mean((quantized - jax.lax.stop_gradient(x)) ** 2)
    loss = q_latent_loss + COMMITMENT_COST * e_latent_loss
    # straight-through estimator
    quantized_st = x + jax.lax.stop_gradient(quantized - x)
    quantized_out = jnp.transpose(quantized_st, (0, 3, 1, 2))
    return (loss, quantized_out, encoding_indices[:, None])

if __name__ == "__main__":
    import jax
    _d = setup_inputs()
    print(jax.jit(kernel)(*tuple(_d.values())))

</pallas_src>

<mosaic_0001>
#map = affine_map<(d0, d1) -> (0, 0)>
#map1 = affine_map<(d0, d1) -> (0)>
module attributes {stable_mosaic.version = 14 : i64} {
  func.func @_sc_gather_body(%arg0: i32, %arg1: i32, %arg2: memref<1024x128xf32, #tpu.memory_space<hbm>>, %arg3: memref<16384xi32, #tpu.memory_space<hbm>>, %arg4: memref<16384x128xf32, #tpu.memory_space<hbm>>, %arg5: memref<512xi32, #tpu.memory_space<vmem>>, %arg6: memref<512x128xf32, #tpu.memory_space<vmem>>, %arg7: memref<!tpu.dma_semaphore, #tpu.memory_space<semaphore_mem>>) attributes {dimension_semantics = [#tpu.dimension_semantics<core_parallel>, #tpu.dimension_semantics<subcore_parallel>], iteration_bounds = array<i64: 2, 16>, scalar_prefetch = 0 : i64, scratch_operands = 3 : i64, tpu.core_type = #tpu.core_type<sc_vector_subcore>, window_params = [{transform_indices = #map}, {transform_indices = #map1}, {transform_indices = #map}]} {
    %mul3A = arith.constant 2 : i32
    %mul3A_0 = arith.muli %arg1, %mul3A : i32
    %add3A = arith.addi %mul3A_0, %arg0 : i32
    %mul3A_1 = arith.constant 512 : i32
    %mul3A_2 = arith.muli %add3A, %mul3A_1 : i32
    "tpu.region"() ({
      %run_scoped3A = tpu.sem_alloc : memref<!tpu.dma_semaphore, #tpu.memory_space<semaphore_mem>>
      %dma_start3A_7 = tpu.memref_slice %arg3[%mul3A_2] : memref<16384xi32, #tpu.memory_space<hbm>> -> memref<512xi32, #tpu.memory_space<hbm>>
      %dma_start3A_8 = tpu.memref_slice %arg3[%mul3A_2] : memref<16384xi32, #tpu.memory_space<hbm>> -> memref<512xi32, #tpu.memory_space<hbm>>
      tpu.enqueue_dma source(%dma_start3A_8 : memref<512xi32, #tpu.memory_space<hbm>>) target(%arg5 : memref<512xi32, #tpu.memory_space<vmem>>) target_semaphore(%run_scoped3A : memref<!tpu.dma_semaphore, #tpu.memory_space<semaphore_mem>>)
      %dma_wait3A_9 = tpu.memref_slice %arg3[%mul3A_2] : memref<16384xi32, #tpu.memory_space<hbm>> -> memref<512xi32, #tpu.memory_space<hbm>>
      %dma_wait3A_10 = tpu.memref_slice %arg3[%mul3A_2] : memref<16384xi32, #tpu.memory_space<hbm>> -> memref<512xi32, #tpu.memory_space<hbm>>
      tpu.wait_dma2 semaphore(%run_scoped3A : memref<!tpu.dma_semaphore, #tpu.memory_space<semaphore_mem>>) src(%dma_wait3A_10 : memref<512xi32, #tpu.memory_space<hbm>>) dst(%arg5 : memref<512xi32, #tpu.memory_space<vmem>>)
      tpu.yield
    }) : () -> ()
    %dma_start3A = arith.constant 0 : i32
    %dma_start3A_3 = arith.constant 0 : i32
    %dma_start3A_4 = tpu.memref_slice %arg2[%dma_start3A, %dma_start3A_3] : memref<1024x128xf32, #tpu.memory_space<hbm>> -> memref<1024x128xf32, #tpu.memory_space<hbm>>
    tpu.enqueue_indirect_dma source(%dma_start3A_4 : memref<1024x128xf32, #tpu.memory_space<hbm>>) target(%arg6 : memref<512x128xf32, #tpu.memory_space<vmem>>) offsets(%arg5 : memref<512xi32, #tpu.memory_space<vmem>>) semaphore(%arg7 : memref<!tpu.dma_semaphore, #tpu.memory_space<semaphore_mem>>)
    %dma_wait3A = arith.constant 0 : i32
    %dma_wait3A_5 = arith.constant 0 : i32
    %dma_wait3A_6 = tpu.memref_slice %arg2[%dma_wait3A, %dma_wait3A_5] : memref<1024x128xf32, #tpu.memory_space<hbm>> -> memref<1024x128xf32, #tpu.memory_space<hbm>>
    tpu.wait_indirect_dma semaphore(%arg7 : memref<!tpu.dma_semaphore, #tpu.memory_space<semaphore_mem>>) src(%dma_wait3A_6 : memref<1024x128xf32, #tpu.memory_space<hbm>>) dst(%arg6 : memref<512x128xf32, #tpu.memory_space<vmem>>)
    "tpu.region"() ({
      %run_scoped3A = tpu.sem_alloc : memref<!tpu.dma_semaphore, #tpu.memory_space<semaphore_mem>>
      %dma_start3A_7 = arith.constant 0 : i32
      %dma_start3A_8 = tpu.memref_slice %arg4[%mul3A_2, %dma_start3A_7] : memref<16384x128xf32, #tpu.memory_space<hbm>> -> memref<512x128xf32, #tpu.memory_space<hbm>>
      %dma_start3A_9 = arith.constant 0 : i32
      %dma_start3A_10 = tpu.memref_slice %arg4[%mul3A_2, %dma_start3A_9] : memref<16384x128xf32, #tpu.memory_space<hbm>> -> memref<512x128xf32, #tpu.memory_space<hbm>>
      tpu.enqueue_dma source(%arg6 : memref<512x128xf32, #tpu.memory_space<vmem>>) target(%dma_start3A_10 : memref<512x128xf32, #tpu.memory_space<hbm>>) target_semaphore(%run_scoped3A : memref<!tpu.dma_semaphore, #tpu.memory_space<semaphore_mem>>)
      %dma_wait3A_11 = arith.constant 0 : i32
      %dma_wait3A_12 = tpu.memref_slice %arg4[%mul3A_2, %dma_wait3A_11] : memref<16384x128xf32, #tpu.memory_space<hbm>> -> memref<512x128xf32, #tpu.memory_space<hbm>>
      %dma_wait3A_13 = arith.constant 0 : i32
      %dma_wait3A_14 = tpu.memref_slice %arg4[%mul3A_2, %dma_wait3A_13] : memref<16384x128xf32, #tpu.memory_space<hbm>> -> memref<512x128xf32, #tpu.memory_space<hbm>>
      tpu.wait_dma2 semaphore(%run_scoped3A : memref<!tpu.dma_semaphore, #tpu.memory_space<semaphore_mem>>) src(%arg6 : memref<512x128xf32, #tpu.memory_space<vmem>>) dst(%dma_wait3A_14 : memref<512x128xf32, #tpu.memory_space<hbm>>)
      tpu.yield
    }) : () -> ()
    return
  }
}

module attributes {stable_mosaic.version = 14 : i64} {
  func.func @_tr_body(%arg0: i32, %arg1: memref<1x1024x128xf32, #tpu.memory_space<vmem>>, %arg2: memref<1x64x1024xf32, #tpu.memory_space<vmem>>) attributes {dimension_semantics = [#tpu.dimension_semantics<arbitrary>], iteration_bounds = array<i64: 16>, scalar_prefetch = 0 : i64, scratch_operands = 0 : i64, tpu.core_type = #tpu.core_type<tc>, window_params = [{transform_indices = @transform_0, window_bounds = array<i64: 1, 1024, 128>}, {transform_indices = @transform_1, window_bounds = array<i64: 1, 64, 1024>}]} {
    %get3A = arith.constant 0 : index
    %get3A_0 = arith.constant 0 : index
    %get3A_1 = arith.constant 0 : index
    %get3A_2 = vector.load %arg1[%get3A, %get3A_0, %get3A_1] : memref<1x1024x128xf32, #tpu.memory_space<vmem>>, vector<1x1024x64xf32>
    %get3A_3 = vector.shape_cast %get3A_2 : vector<1x1024x64xf32> to vector<1024x64xf32>
    %transpose3A = tpu.transpose %get3A_3, [1, 0] : vector<1024x64xf32> -> vector<64x1024xf32>
    %swap3A = arith.constant 0 : index
    %swap3A_4 = arith.constant 0 : index
    %swap3A_5 = arith.constant 0 : index
    %swap3A_6 = vector.load %arg2[%swap3A, %swap3A_4, %swap3A_5] : memref<1x64x1024xf32, #tpu.memory_space<vmem>>, vector<1x64x1024xf32>
    %swap3A_7 = vector.shape_cast %swap3A_6 : vector<1x64x1024xf32> to vector<64x1024xf32>
    %swap3A_8 = vector.shape_cast %transpose3A : vector<64x1024xf32> to vector<1x64x1024xf32>
    tpu.vector_store %arg2[%swap3A, %swap3A_4, %swap3A_5], %swap3A_8 {strides = array<i32>} : memref<1x64x1024xf32, #tpu.memory_space<vmem>>, vector<1x64x1024xf32>,
    return
  }
  func.func @transform_0(%arg0: i32) -> (i32, i32, i32) {
    %c0_i32 = arith.constant 0 : i32
    %c0_i32_0 = arith.constant 0 : i32
    %c0_i32_1 = arith.constant 0 : i32
    return %arg0, %c0_i32, %c0_i32_0 : i32, i32, i32
  }
  func.func @transform_1(%arg0: i32) -> (i32, i32, i32) {
    %c0_i32 = arith.constant 0 : i32
    %c0_i32_0 = arith.constant 0 : i32
    %c0_i32_1 = arith.constant 0 : i32
    return %arg0, %c0_i32, %c0_i32_0 : i32, i32, i32
  }
}

module attributes {stable_mosaic.version = 14 : i64} {
  func.func @_vq_body(%arg0: i32, %arg1: memref<4x64x1024xf32, #tpu.memory_space<vmem>>, %arg2: memref<1024x64xf32, #tpu.memory_space<vmem>>, %arg3: memref<1x1xf32, #tpu.memory_space<smem>>, %arg4: memref<4x1x1024xi32, #tpu.memory_space<vmem>>, %arg5: memref<1024x195xf32, #tpu.memory_space<vmem>>, %arg6: memref<4x67x1024xf32, #tpu.memory_space<vmem>>) attributes {dimension_semantics = [#tpu.dimension_semantics<arbitrary>], iteration_bounds = array<i64: 4>, scalar_prefetch = 0 : i64, scratch_operands = 2 : i64, tpu.core_type = #tpu.core_type<tc>, window_params = [{transform_indices = @transform_0, window_bounds = array<i64: 4, 64, 1024>}, {pipeline_mode = #tpu.pipeline_mode<synchronous>, transform_indices = @transform_1, window_bounds = array<i64: 1024, 64>}, {transform_indices = @transform_2, window_bounds = array<i64: 1, 1>}, {transform_indices = @transform_3, window_bounds = array<i64: 4, 1, 1024>}]} {
    %eq3A = arith.constant 0 : i32
    %eq3A_0 = arith.cmpi eq, %arg0, %eq3A : i32
    %convert_element_type3A = arith.extui %eq3A_0 : i1 to i32
    %cond3A = arith.constant 0 : i32
    %cond3A_1 = arith.cmpi ne, %convert_element_type3A, %cond3A : i32
    scf.if %cond3A_1 {
      %get3A_278 = arith.constant 0 : index
      %get3A_279 = arith.constant 0 : index
      %get3A_280 = vector.load %arg2[%get3A_278, %get3A_279] : memref<1024x64xf32, #tpu.memory_space<vmem>>, vector<1024x64xf32>
      %mul3A_281 = arith.constant -2.000000e+00 : f32
      %mul3A_282 = vector.broadcast %mul3A_281 : f32 to vector<1024x64xf32>
      %mul3A_283 = arith.mulf %mul3A_282, %get3A_280 : vector<1024x64xf32>
      %iota3A = tpu.iota {dimensions = array<i32: 0>} : vector<1024x1xi32>
      %swap3A_284 = arith.constant 0 : index
      %swap3A_285 = arith.constant 0 : index
      %swap3A_286 = vector.load %arg5[%swap3A_284, %swap3A_285] : memref<1024x195xf32, #tpu.memory_space<vmem>>, vector<1024x64xf32>
      tpu.vector_store %arg5[%swap3A_284, %swap3A_285], %mul3A_283 {strides = array<i32>} : memref<1024x195xf32, #tpu.memory_space<vmem>>, vector<1024x64xf32>,
      %mul3A_287 = arith.mulf %mul3A_283, %mul3A_283 : vector<1024x64xf32>
      %reduce_sum3A_288 = arith.constant dense<0.000000e+00> : vector<1024xf32>
      %reduce_sum3A_289 = vector.multi_reduction <add>, %mul3A_287, %reduce_sum3A_288 [1] : vector<1024x64xf32> to vector<1024xf32>
      %broadcast_in_dim3A_290 = vector.shape_cast %reduce_sum3A_289 : vector<1024xf32> to vector<1024x1xf32>
      %mul3A_291 = arith.constant 2.500000e-01 : f32
      %mul3A_292 = vector.broadcast %mul3A_291 : f32 to vector<1024x1xf32>
      %mul3A_293 = arith.mulf %mul3A_292, %broadcast_in_dim3A_290 : vector<1024x1xf32>
      %convert_element_type3A_294 = arith.truncf %mul3A_293 : vector<1024x1xf32> to vector<1024x1xbf16>
      %convert_element_type3A_295 = arith.extf %convert_element_type3A_294 : vector<1024x1xbf16> to vector<1024x1xf32>
      %sub3A = arith.subf %mul3A_293, %convert_element_type3A_295 : vector<1024x1xf32>
      %convert_element_type3A_296 = arith.truncf %sub3A : vector<1024x1xf32> to vector<1024x1xbf16>
      %convert_element_type3A_297 = arith.extf %convert_element_type3A_296 : vector<1024x1xbf16> to vector<1024x1xf32>
      %swap3A_298 = arith.constant 0 : index
      %swap3A_299 = arith.constant 64 : index
      %swap3A_300 = vector.load %arg5[%swap3A_298, %swap3A_299] : memref<1024x195xf32, #tpu.memory_space<vmem>>, vector<1024x1xf32>
      tpu.vector_store %arg5[%swap3A_298, %swap3A_299], %convert_element_type3A_295 {strides = array<i32>} : memref<1024x195xf32, #tpu.memory_space<vmem>>, vector<1024x1xf32>,
      %swap3A_301 = arith.constant 0 : index
      %swap3A_302 = arith.constant 65 : index
      %swap3A_303 = vector.load %arg5[%swap3A_301, %swap3A_302] : memref<1024x195xf32, #tpu.memory_space<vmem>>, vector<1024x1xf32>
      tpu.vector_store %arg5[%swap3A_301, %swap3A_302], %convert_element_type3A_297 {strides = array<i32>} : memref<1024x195xf32, #tpu.memory_space<vmem>>, vector<1024x1xf32>,
      %sub3A_304 = arith.subf %sub3A, %convert_element_type3A_297 : vector<1024x1xf32>
      %swap3A_305 = arith.constant 0 : index
      %swap3A_306 = arith.constant 66 : index
      %swap3A_307 = vector.load %arg5[%swap3A_305, %swap3A_306] : memref<1024x195xf32, #tpu.memory_space<vmem>>, vector<1024x1xf32>
      tpu.vector_store %arg5[%swap3A_305, %swap3A_306], %sub3A_304 {strides = array<i32>} : memref<1024x195xf32, #tpu.memory_space<vmem>>, vector<1024x1xf32>,
      %swap3A_308 = arith.constant 0 : index
      %swap3A_309 = arith.constant 128 : index
      %swap3A_310 = vector.load %arg5[%swap3A_308, %swap3A_309] : memref<1024x195xf32, #tpu.memory_space<vmem>>, vector<1024x64xf32>
      tpu.vector_store %arg5[%swap3A_308, %swap3A_309], %get3A_280 {strides = array<i32>} : memref<1024x195xf32, #tpu.memory_space<vmem>>, vector<1024x64xf32>,
      %jit3A_311 = arith.constant 32 : i32
      %div3A = vector.broadcast %jit3A_311 : i32 to vector<1024x1xi32>
      %div3A_312 = arith.divsi %iota3A, %div3A : vector<1024x1xi32>
      %sign3A = arith.constant 0 : i32
      %sign3A_313 = vector.broadcast %sign3A : i32 to vector<1024x1xi32>
      %sign3A_314 = arith.cmpi sgt, %iota3A, %sign3A_313 : vector<1024x1xi32>
      %sign3A_315 = arith.extui %sign3A_314 : vector<1024x1xi1> to vector<1024x1xi32>
      %sign3A_316 = arith.constant 0 : i32
      %sign3A_317 = vector.broadcast %sign3A_316 : i32 to vector<1024x1xi32>
      %sign3A_318 = arith.cmpi slt, %iota3A, %sign3A_317 : vector<1024x1xi32>
      %sign3A_319 = arith.extui %sign3A_318 : vector<1024x1xi1> to vector<1024x1xi32>
      %sign3A_320 = arith.subi %sign3A_315, %sign3A_319 : vector<1024x1xi32>
      %sign3A_321 = arith.constant 0 : i32
      %sign3A_322 = arith.cmpi sgt, %jit3A_311, %sign3A_321 : i32
      %sign3A_323 = arith.extui %sign3A_322 : i1 to i32
      %sign3A_324 = arith.constant 0 : i32
      %sign3A_325 = arith.cmpi slt, %jit3A_311, %sign3A_324 : i32
      %sign3A_326 = arith.extui %sign3A_325 : i1 to i32
      %sign3A_327 = arith.subi %sign3A_323, %sign3A_326 : i32
      %ne3A = vector.broadcast %sign3A_327 : i32 to vector<1024x1xi32>
      %ne3A_328 = arith.cmpi ne, %sign3A_320, %ne3A : vector<1024x1xi32>
      %rem3A = vector.broadcast %jit3A_311 : i32 to vector<1024x1xi32>
      %rem3A_329 = arith.remsi %iota3A, %rem3A : vector<1024x1xi32>
      %ne3A_330 = arith.constant 0 : i32
      %ne3A_331 = vector.broadcast %ne3A_330 : i32 to vector<1024x1xi32>
      %ne3A_332 = arith.cmpi ne, %rem3A_329, %ne3A_331 : vector<1024x1xi32>
      %and3A = arith.andi %ne3A_328, %ne3A_332 : vector<1024x1xi1>
      %sub3A_333 = arith.constant 1 : i32
      %sub3A_334 = vector.broadcast %sub3A_333 : i32 to vector<1024x1xi32>
      %sub3A_335 = arith.subi %div3A_312, %sub3A_334 : vector<1024x1xi32>
      %select_n3A_336 = arith.select %and3A, %sub3A_335, %div3A_312 : vector<1024x1xi1>, vector<1024x1xi32>
      %mul3A_337 = arith.constant 32 : i32
      %mul3A_338 = vector.broadcast %mul3A_337 : i32 to vector<1024x1xi32>
      %mul3A_339 = arith.muli %select_n3A_336, %mul3A_338 : vector<1024x1xi32>
      %convert_element_type3A_340 = arith.sitofp %mul3A_339 : vector<1024x1xi32> to vector<1024x1xf32>
      %swap3A_341 = arith.constant 0 : index
      %swap3A_342 = arith.constant 192 : index
      %swap3A_343 = vector.load %arg5[%swap3A_341, %swap3A_342] : memref<1024x195xf32, #tpu.memory_space<vmem>>, vector<1024x1xf32>
      tpu.vector_store %arg5[%swap3A_341, %swap3A_342], %convert_element_type3A_340 {strides = array<i32>} : memref<1024x195xf32, #tpu.memory_space<vmem>>, vector<1024x1xf32>,
      %jit3A_344 = arith.constant 32 : i32
      %eq3A_345 = arith.constant 0 : i32
      %eq3A_346 = arith.cmpi eq, %jit3A_344, %eq3A_345 : i32
      %jit3A_347 = arith.constant 1 : i32
      %select_n3A_348 = arith.select %eq3A_346, %jit3A_347, %jit3A_344 : i32
      %rem3A_349 = vector.broadcast %select_n3A_348 : i32 to vector<1024x1xi32>
      %rem3A_350 = arith.remsi %iota3A, %rem3A_349 : vector<1024x1xi32>
      %ne3A_351 = arith.constant 0 : i32
      %ne3A_352 = vector.broadcast %ne3A_351 : i32 to vector<1024x1xi32>
      %ne3A_353 = arith.cmpi ne, %rem3A_350, %ne3A_352 : vector<1024x1xi32>
      %lt3A = arith.constant 0 : i32
      %lt3A_354 = vector.broadcast %lt3A : i32 to vector<1024x1xi32>
      %lt3A_355 = arith.cmpi slt, %rem3A_350, %lt3A_354 : vector<1024x1xi32>
      %lt3A_356 = arith.constant 0 : i32
      %lt3A_357 = arith.cmpi slt, %select_n3A_348, %lt3A_356 : i32
      %ne3A_358 = vector.broadcast %lt3A_357 : i1 to vector<1024x1xi1>
      %ne3A_359 = vector.broadcast %ne3A_358 : vector<1024x1xi1> to vector<1024x1xi1>
      %ne3A_360 = arith.xori %lt3A_355, %ne3A_359 : vector<1024x1xi1>
      %and3A_361 = arith.andi %ne3A_360, %ne3A_353 : vector<1024x1xi1>
      %add3A_362 = vector.broadcast %select_n3A_348 : i32 to vector<1024x1xi32>
      %add3A_363 = arith.addi %rem3A_350, %add3A_362 : vector<1024x1xi32>
      %select_n3A_364 = arith.select %and3A_361, %add3A_363, %rem3A_350 : vector<1024x1xi1>, vector<1024x1xi32>
      %convert_element_type3A_365 = arith.sitofp %select_n3A_364 : vector<1024x1xi32> to vector<1024x1xf32>
      %swap3A_366 = arith.constant 0 : index
      %swap3A_367 = arith.constant 193 : index
      %swap3A_368 = vector.load %arg5[%swap3A_366, %swap3A_367] : memref<1024x195xf32, #tpu.memory_space<vmem>>, vector<1024x1xf32>
      tpu.vector_store %arg5[%swap3A_366, %swap3A_367], %convert_element_type3A_365 {strides = array<i32>} : memref<1024x195xf32, #tpu.memory_space<vmem>>, vector<1024x1xf32>,
      %broadcast_in_dim3A_369 = arith.constant 1.000000e+00 : f32
      %broadcast_in_dim3A_370 = vector.broadcast %broadcast_in_dim3A_369 : f32 to vector<1024x1xf32>
      %swap3A_371 = arith.constant 0 : index
      %swap3A_372 = arith.constant 194 : index
      %swap3A_373 = vector.load %arg5[%swap3A_371, %swap3A_372] : memref<1024x195xf32, #tpu.memory_space<vmem>>, vector<1024x1xf32>
      tpu.vector_store %arg5[%swap3A_371, %swap3A_372], %broadcast_in_dim3A_370 {strides = array<i32>} : memref<1024x195xf32, #tpu.memory_space<vmem>>, vector<1024x1xf32>,
      %broadcast_in_dim3A_374 = arith.constant 1.000000e+00 : f32
      %broadcast_in_dim3A_375 = vector.broadcast %broadcast_in_dim3A_374 : f32 to vector<3x1024xf32>
      %swap3A_376 = arith.constant 0 : index
      %swap3A_377 = arith.constant 64 : index
      %swap3A_378 = arith.constant 0 : index
      %swap3A_379 = vector.load %arg6[%swap3A_376, %swap3A_377, %swap3A_378] : memref<4x67x1024xf32, #tpu.memory_space<vmem>>, vector<1x3x1024xf32>
      %swap3A_380 = vector.shape_cast %swap3A_379 : vector<1x3x1024xf32> to vector<3x1024xf32>
      %swap3A_381 = vector.shape_cast %broadcast_in_dim3A_375 : vector<3x1024xf32> to vector<1x3x1024xf32>
      tpu.vector_store %arg6[%swap3A_376, %swap3A_377, %swap3A_378], %swap3A_381 {strides = array<i32>} : memref<4x67x1024xf32, #tpu.memory_space<vmem>>, vector<1x3x1024xf32>,
      %broadcast_in_dim3A_382 = arith.constant 1.000000e+00 : f32
      %broadcast_in_dim3A_383 = vector.broadcast %broadcast_in_dim3A_382 : f32 to vector<3x1024xf32>
      %swap3A_384 = arith.constant 1 : index
      %swap3A_385 = arith.constant 64 : index
      %swap3A_386 = arith.constant 0 : index
      %swap3A_387 = vector.load %arg6[%swap3A_384, %swap3A_385, %swap3A_386] : memref<4x67x1024xf32, #tpu.memory_space<vmem>>, vector<1x3x1024xf32>
      %swap3A_388 = vector.shape_cast %swap3A_387 : vector<1x3x1024xf32> to vector<3x1024xf32>
      %swap3A_389 = vector.shape_cast %broadcast_in_dim3A_383 : vector<3x1024xf32> to vector<1x3x1024xf32>
      tpu.vector_store %arg6[%swap3A_384, %swap3A_385, %swap3A_386], %swap3A_389 {strides = array<i32>} : memref<4x67x1024xf32, #tpu.memory_space<vmem>>, vector<1x3x1024xf32>,
      %broadcast_in_dim3A_390 = arith.constant 1.000000e+00 : f32
      %broadcast_in_dim3A_391 = vector.broadcast %broadcast_in_dim3A_390 : f32 to vector<3x1024xf32>
      %swap3A_392 = arith.constant 2 : index
      %swap3A_393 = arith.constant 64 : index
      %swap3A_394 = arith.constant 0 : index
      %swap3A_395 = vector.load %arg6[%swap3A_392, %swap3A_393, %swap3A_394] : memref<4x67x1024xf32, #tpu.memory_space<vmem>>, vector<1x3x1024xf32>
      %swap3A_396 = vector.shape_cast %swap3A_395 : vector<1x3x1024xf32> to vector<3x1024xf32>
      %swap3A_397 = vector.shape_cast %broadcast_in_dim3A_391 : vector<3x1024xf32> to vector<1x3x1024xf32>
      tpu.vector_store %arg6[%swap3A_392, %swap3A_393, %swap3A_394], %swap3A_397 {strides = array<i32>} : memref<4x67x1024xf32, #tpu.memory_space<vmem>>, vector<1x3x1024xf32>,
      %broadcast_in_dim3A_398 = arith.constant 1.000000e+00 : f32
      %broadcast_in_dim3A_399 = vector.broadcast %broadcast_in_dim3A_398 : f32 to vector<3x1024xf32>
      %swap3A_400 = arith.constant 3 : index
      %swap3A_401 = arith.constant 64 : index
      %swap3A_402 = arith.constant 0 : index
      %swap3A_403 = vector.load %arg6[%swap3A_400, %swap3A_401, %swap3A_402] : memref<4x67x1024xf32, #tpu.memory_space<vmem>>, vector<1x3x1024xf32>
      %swap3A_404 = vector.shape_cast %swap3A_403 : vector<1x3x1024xf32> to vector<3x1024xf32>
      %swap3A_405 = vector.shape_cast %broadcast_in_dim3A_399 : vector<3x1024xf32> to vector<1x3x1024xf32>
      tpu.vector_store %arg6[%swap3A_400, %swap3A_401, %swap3A_402], %swap3A_405 {strides = array<i32>} : memref<4x67x1024xf32, #tpu.memory_space<vmem>>, vector<1x3x1024xf32>,
      %swap3A_406 = arith.constant 0.000000e+00 : f32
      %swap3A_407 = arith.constant 0 : index
      %swap3A_408 = arith.constant 0 : index
      %swap3A_409 = memref.load %arg3[%swap3A_407, %swap3A_408] : memref<1x1xf32, #tpu.memory_space<smem>>
      memref.store %swap3A_406, %arg3[%swap3A_407, %swap3A_408] : memref<1x1xf32, #tpu.memory_space<smem>>
    } else {
    }
    %get3A = arith.constant 0 : index
    %get3A_2 = arith.constant 0 : index
    %get3A_3 = vector.load %arg5[%get3A, %get3A_2] : memref<1024x195xf32, #tpu.memory_space<vmem>>, vector<1024x67xf32>
    %get3A_4 = arith.constant 0 : index
    %get3A_5 = arith.constant 192 : index
    %get3A_6 = vector.load %arg5[%get3A_4, %get3A_5] : memref<1024x195xf32, #tpu.memory_space<vmem>>, vector<1024x3xf32>
    %broadcast_in_dim3A = arith.constant 0.000000e+00 : f32
    %broadcast_in_dim3A_7 = vector.broadcast %broadcast_in_dim3A : f32 to vector<1024xf32>
    %get3A_8 = arith.constant 0 : index
    %get3A_9 = arith.constant 0 : index
    %get3A_10 = arith.constant 0 : index
    %get3A_11 = vector.load %arg1[%get3A_8, %get3A_9, %get3A_10] : memref<4x64x1024xf32, #tpu.memory_space<vmem>>, vector<1x64x1024xf32>
    %get3A_12 = vector.shape_cast %get3A_11 : vector<1x64x1024xf32> to vector<64x1024xf32>
    %swap3A = arith.constant 0 : index
    %swap3A_13 = arith.constant 0 : index
    %swap3A_14 = arith.constant 0 : index
    %swap3A_15 = vector.load %arg6[%swap3A, %swap3A_13, %swap3A_14] : memref<4x67x1024xf32, #tpu.memory_space<vmem>>, vector<1x64x1024xf32>
    %swap3A_16 = vector.shape_cast %swap3A_15 : vector<1x64x1024xf32> to vector<64x1024xf32>
    %swap3A_17 = vector.shape_cast %get3A_12 : vector<64x1024xf32> to vector<1x64x1024xf32>
    tpu.vector_store %arg6[%swap3A, %swap3A_13, %swap3A_14], %swap3A_17 {strides = array<i32>} : memref<4x67x1024xf32, #tpu.memory_space<vmem>>, vector<1x64x1024xf32>,
    %get3A_18 = arith.constant 0 : index
    %get3A_19 = arith.constant 0 : index
    %get3A_20 = arith.constant 0 : index
    %get3A_21 = vector.load %arg6[%get3A_18, %get3A_19, %get3A_20] : memref<4x67x1024xf32, #tpu.memory_space<vmem>>, vector<1x67x1024xf32>
    %get3A_22 = vector.shape_cast %get3A_21 : vector<1x67x1024xf32> to vector<67x1024xf32>
    %dot_general3A = arith.constant dense<0.000000e+00> : vector<1024x1024xf32>
    %dot_general3A_23 = tpu.matmul %get3A_3, %get3A_22, %dot_general3A {dimension_numbers = #tpu.dot_dimension_numbers<[1], [0], [0], [1], [0, 0, 1, 1], [], []>, transpose_lhs_hint = false} : vector<1024x67xf32>, vector<67x1024xf32>, vector<1024x1024xf32> -> vector<1024x1024xf32>
    %reduce_min3A = arith.constant dense<0x7F800000> : vector<1024xf32>
    %reduce_min3A_24 = vector.multi_reduction <minimumf>, %dot_general3A_23, %reduce_min3A [0] : vector<1024x1024xf32> to vector<1024xf32>
    %broadcast_in_dim3A_25 = vector.shape_cast %reduce_min3A_24 : vector<1024xf32> to vector<1x1024xf32>
    %eq3A_26 = vector.broadcast %broadcast_in_dim3A_25 : vector<1x1024xf32> to vector<1024x1024xf32>
    %eq3A_27 = arith.cmpf oeq, %dot_general3A_23, %eq3A_26 : vector<1024x1024xf32>
    %jit3A = arith.constant 1.000000e+00 : f32
    %jit3A_28 = arith.constant 0.000000e+00 : f32
    %broadcast_in_dim3A_29 = vector.broadcast %jit3A : f32 to vector<1024x1024xf32>
    %broadcast_in_dim3A_30 = vector.broadcast %jit3A_28 : f32 to vector<1024x1024xf32>
    %select_n3A = arith.select %eq3A_27, %broadcast_in_dim3A_29, %broadcast_in_dim3A_30 : vector<1024x1024xi1>, vector<1024x1024xf32>
    %dot_general3A_31 = arith.constant dense<0.000000e+00> : vector<3x1024xf32>
    %dot_general3A_32 = tpu.matmul %get3A_6, %select_n3A, %dot_general3A_31 {dimension_numbers = #tpu.dot_dimension_numbers<[0], [0], [1], [1], [0, 1, 1, 1], [], []>, transpose_lhs_hint = false} : vector<1024x3xf32>, vector<1024x1024xf32>, vector<3x1024xf32> -> vector<3x1024xf32>
    %slice3A = vector.extract_strided_slice %dot_general3A_32 {offsets = [0, 0], sizes = [1, 1024], strides = [1, 1]} : vector<3x1024xf32> to vector<1x1024xf32>
    %squeeze3A = vector.shape_cast %slice3A : vector<1x1024xf32> to vector<1024xf32>
    %slice3A_33 = vector.extract_strided_slice %dot_general3A_32 {offsets = [1, 0], sizes = [1, 1024], strides = [1, 1]} : vector<3x1024xf32> to vector<1x1024xf32>
    %squeeze3A_34 = vector.shape_cast %slice3A_33 : vector<1x1024xf32> to vector<1024xf32>
    %add3A = arith.addf %squeeze3A, %squeeze3A_34 : vector<1024xf32>
    %convert_element_type3A_35 = arith.fptosi %add3A : vector<1024xf32> to vector<1024xi32>
    %swap3A_36 = arith.constant 0 : index
    %swap3A_37 = arith.constant 0 : index
    %swap3A_38 = arith.constant 0 : index
    %swap3A_39 = vector.load %arg4[%swap3A_36, %swap3A_37, %swap3A_38] : memref<4x1x1024xi32, #tpu.memory_space<vmem>>, vector<1x1x1024xi32>
    %swap3A_40 = vector.shape_cast %swap3A_39 : vector<1x1x1024xi32> to vector<1024xi32>
    %swap3A_41 = vector.shape_cast %convert_element_type3A_35 : vector<1024xi32> to vector<1x1x1024xi32>
    tpu.vector_store %arg4[%swap3A_36, %swap3A_37, %swap3A_38], %swap3A_41 {strides = array<i32>} : memref<4x1x1024xi32, #tpu.memory_space<vmem>>, vector<1x1x1024xi32>,
    %slice3A_42 = vector.extract_strided_slice %dot_general3A_32 {offsets = [2, 0], sizes = [1, 1024], strides = [1, 1]} : vector<3x1024xf32> to vector<1x1024xf32>
    %squeeze3A_43 = vector.shape_cast %slice3A_42 : vector<1x1024xf32> to vector<1024xf32>
    %max3A = arith.maximumf %broadcast_in_dim3A_7, %squeeze3A_43 : vector<1024xf32>
    %get3A_44 = arith.constant 0 : index
    %get3A_45 = arith.constant 0 : index
    %get3A_46 = arith.constant 0 : index
    %get3A_47 = vector.load %arg1[%get3A_44, %get3A_45, %get3A_46] : memref<4x64x1024xf32, #tpu.memory_space<vmem>>, vector<1x64x1024xf32>
    %get3A_48 = vector.shape_cast %get3A_47 : vector<1x64x1024xf32> to vector<64x1024xf32>
    %reduce_sum3A = vector.shape_cast %reduce_min3A_24 : vector<1024xf32> to vector<1x1024xf32>
    %reduce_sum3A_49 = arith.constant dense<0.000000e+00> : vector<1xf32>
    %reduce_sum3A_50 = vector.multi_reduction <add>, %reduce_sum3A, %reduce_sum3A_49 [1] : vector<1x1024xf32> to vector<1xf32>
    %reduce_sum3A_51 = vector.shape_cast %reduce_sum3A_50 : vector<1xf32> to vector<1x1xf32>
    %reduce_sum3A_52 = vector.extract %reduce_sum3A_51[0, 0] : f32 from vector<1x1xf32>
    %mul3A = arith.mulf %get3A_48, %get3A_48 : vector<64x1024xf32>
    %reduce_sum3A_53 = vector.shape_cast %mul3A : vector<64x1024xf32> to vector<1x64x1024xf32>
    %reduce_sum3A_54 = arith.constant dense<0.000000e+00> : vector<1xf32>
    %reduce_sum3A_55 = vector.multi_reduction <add>, %reduce_sum3A_53, %reduce_sum3A_54 [1, 2] : vector<1x64x1024xf32> to vector<1xf32>
    %reduce_sum3A_56 = vector.shape_cast %reduce_sum3A_55 : vector<1xf32> to vector<1x1x1xf32>
    %reduce_sum3A_57 = vector.extract %reduce_sum3A_56[0, 0, 0] : f32 from vector<1x1x1xf32>
    %add3A_58 = arith.addf %reduce_sum3A_52, %reduce_sum3A_57 : f32
    %add3A_59 = arith.constant 0.000000e+00 : f32
    %add3A_60 = arith.addf %add3A_59, %add3A_58 : f32
    %get3A_61 = arith.constant 1 : index
    %get3A_62 = arith.constant 0 : index
    %get3A_63 = arith.constant 0 : index
    %get3A_64 = vector.load %arg1[%get3A_61, %get3A_62, %get3A_63] : memref<4x64x1024xf32, #tpu.memory_space<vmem>>, vector<1x64x1024xf32>
    %get3A_65 = vector.shape_cast %get3A_64 : vector<1x64x1024xf32> to vector<64x1024xf32>
    %swap3A_66 = arith.constant 1 : index
    %swap3A_67 = arith.constant 0 : index
    %swap3A_68 = arith.constant 0 : index
    %swap3A_69 = vector.load %arg6[%swap3A_66, %swap3A_67, %swap3A_68] : memref<4x67x1024xf32, #tpu.memory_space<vmem>>, vector<1x64x1024xf32>
    %swap3A_70 = vector.shape_cast %swap3A_69 : vector<1x64x1024xf32> to vector<64x1024xf32>
    %swap3A_71 = vector.shape_cast %get3A_65 : vector<64x1024xf32> to vector<1x64x1024xf32>
    tpu.vector_store %arg6[%swap3A_66, %swap3A_67, %swap3A_68], %swap3A_71 {strides = array<i32>} : memref<4x67x1024xf32, #tpu.memory_space<vmem>>, vector<1x64x1024xf32>,
    %get3A_72 = arith.constant 1 : index
    %get3A_73 = arith.constant 0 : index
    %get3A_74 = arith.constant 0 : index
    %get3A_75 = vector.load %arg6[%get3A_72, %get3A_73, %get3A_74] : memref<4x67x1024xf32, #tpu.memory_space<vmem>>, vector<1x67x1024xf32>
    %get3A_76 = vector.shape_cast %get3A_75 : vector<1x67x1024xf32> to vector<67x1024xf32>
    %dot_general3A_77 = arith.constant dense<0.000000e+00> : vector<1024x1024xf32>
    %dot_general3A_78 = tpu.matmul %get3A_3, %get3A_76, %dot_general3A_77 {dimension_numbers = #tpu.dot_dimension_numbers<[1], [0], [0], [1], [0, 0, 1, 1], [], []>, transpose_lhs_hint = false} : vector<1024x67xf32>, vector<67x1024xf32>, vector<1024x1024xf32> -> vector<1024x1024xf32>
    %reduce_min3A_79 = arith.constant dense<0x7F800000> : vector<1024xf32>
    %reduce_min3A_80 = vector.multi_reduction <minimumf>, %dot_general3A_78, %reduce_min3A_79 [0] : vector<1024x1024xf32> to vector<1024xf32>
    %broadcast_in_dim3A_81 = vector.shape_cast %reduce_min3A_80 : vector<1024xf32> to vector<1x1024xf32>
    %eq3A_82 = vector.broadcast %broadcast_in_dim3A_81 : vector<1x1024xf32> to vector<1024x1024xf32>
    %eq3A_83 = arith.cmpf oeq, %dot_general3A_78, %eq3A_82 : vector<1024x1024xf32>
    %jit3A_84 = arith.constant 1.000000e+00 : f32
    %jit3A_85 = arith.constant 0.000000e+00 : f32
    %broadcast_in_dim3A_86 = vector.broadcast %jit3A_84 : f32 to vector<1024x1024xf32>
    %broadcast_in_dim3A_87 = vector.broadcast %jit3A_85 : f32 to vector<1024x1024xf32>
    %select_n3A_88 = arith.select %eq3A_83, %broadcast_in_dim3A_86, %broadcast_in_dim3A_87 : vector<1024x1024xi1>, vector<1024x1024xf32>
    %dot_general3A_89 = arith.constant dense<0.000000e+00> : vector<3x1024xf32>
    %dot_general3A_90 = tpu.matmul %get3A_6, %select_n3A_88, %dot_general3A_89 {dimension_numbers = #tpu.dot_dimension_numbers<[0], [0], [1], [1], [0, 1, 1, 1], [], []>, transpose_lhs_hint = false} : vector<1024x3xf32>, vector<1024x1024xf32>, vector<3x1024xf32> -> vector<3x1024xf32>
    %slice3A_91 = vector.extract_strided_slice %dot_general3A_90 {offsets = [0, 0], sizes = [1, 1024], strides = [1, 1]} : vector<3x1024xf32> to vector<1x1024xf32>
    %squeeze3A_92 = vector.shape_cast %slice3A_91 : vector<1x1024xf32> to vector<1024xf32>
    %slice3A_93 = vector.extract_strided_slice %dot_general3A_90 {offsets = [1, 0], sizes = [1, 1024], strides = [1, 1]} : vector<3x1024xf32> to vector<1x1024xf32>
    %squeeze3A_94 = vector.shape_cast %slice3A_93 : vector<1x1024xf32> to vector<1024xf32>
    %add3A_95 = arith.addf %squeeze3A_92, %squeeze3A_94 : vector<1024xf32>
    %convert_element_type3A_96 = arith.fptosi %add3A_95 : vector<1024xf32> to vector<1024xi32>
    %swap3A_97 = arith.constant 1 : index
    %swap3A_98 = arith.constant 0 : index
    %swap3A_99 = arith.constant 0 : index
    %swap3A_100 = vector.load %arg4[%swap3A_97, %swap3A_98, %swap3A_99] : memref<4x1x1024xi32, #tpu.memory_space<vmem>>, vector<1x1x1024xi32>
    %swap3A_101 = vector.shape_cast %swap3A_100 : vector<1x1x1024xi32> to vector<1024xi32>
    %swap3A_102 = vector.shape_cast %convert_element_type3A_96 : vector<1024xi32> to vector<1x1x1024xi32>
    tpu.vector_store %arg4[%swap3A_97, %swap3A_98, %swap3A_99], %swap3A_102 {strides = array<i32>} : memref<4x1x1024xi32, #tpu.memory_space<vmem>>, vector<1x1x1024xi32>,
    %slice3A_103 = vector.extract_strided_slice %dot_general3A_90 {offsets = [2, 0], sizes = [1, 1024], strides = [1, 1]} : vector<3x1024xf32> to vector<1x1024xf32>
    %squeeze3A_104 = vector.shape_cast %slice3A_103 : vector<1x1024xf32> to vector<1024xf32>
    %max3A_105 = arith.maximumf %max3A, %squeeze3A_104 : vector<1024xf32>
    %get3A_106 = arith.constant 1 : index
    %get3A_107 = arith.constant 0 : index
    %get3A_108 = arith.constant 0 : index
    %get3A_109 = vector.load %arg1[%get3A_106, %get3A_107, %get3A_108] : memref<4x64x1024xf32, #tpu.memory_space<vmem>>, vector<1x64x1024xf32>
    %get3A_110 = vector.shape_cast %get3A_109 : vector<1x64x1024xf32> to vector<64x1024xf32>
    %reduce_sum3A_111 = vector.shape_cast %reduce_min3A_80 : vector<1024xf32> to vector<1x1024xf32>
    %reduce_sum3A_112 = arith.constant dense<0.000000e+00> : vector<1xf32>
    %reduce_sum3A_113 = vector.multi_reduction <add>, %reduce_sum3A_111, %reduce_sum3A_112 [1] : vector<1x1024xf32> to vector<1xf32>
    %reduce_sum3A_114 = vector.shape_cast %reduce_sum3A_113 : vector<1xf32> to vector<1x1xf32>
    %reduce_sum3A_115 = vector.extract %reduce_sum3A_114[0, 0] : f32 from vector<1x1xf32>
    %mul3A_116 = arith.mulf %get3A_110, %get3A_110 : vector<64x1024xf32>
    %reduce_sum3A_117 = vector.shape_cast %mul3A_116 : vector<64x1024xf32> to vector<1x64x1024xf32>
    %reduce_sum3A_118 = arith.constant dense<0.000000e+00> : vector<1xf32>
    %reduce_sum3A_119 = vector.multi_reduction <add>, %reduce_sum3A_117, %reduce_sum3A_118 [1, 2] : vector<1x64x1024xf32> to vector<1xf32>
    %reduce_sum3A_120 = vector.shape_cast %reduce_sum3A_119 : vector<1xf32> to vector<1x1x1xf32>
    %reduce_sum3A_121 = vector.extract %reduce_sum3A_120[0, 0, 0] : f32 from vector<1x1x1xf32>
    %add3A_122 = arith.addf %reduce_sum3A_115, %reduce_sum3A_121 : f32
    %add3A_123 = arith.addf %add3A_60, %add3A_122 : f32
    %get3A_124 = arith.constant 2 : index
    %get3A_125 = arith.constant 0 : index
    %get3A_126 = arith.constant 0 : index
    %get3A_127 = vector.load %arg1[%get3A_124, %get3A_125, %get3A_126] : memref<4x64x1024xf32, #tpu.memory_space<vmem>>, vector<1x64x1024xf32>
    %get3A_128 = vector.shape_cast %get3A_127 : vector<1x64x1024xf32> to vector<64x1024xf32>
    %swap3A_129 = arith.constant 2 : index
    %swap3A_130 = arith.constant 0 : index
    %swap3A_131 = arith.constant 0 : index
    %swap3A_132 = vector.load %arg6[%swap3A_129, %swap3A_130, %swap3A_131] : memref<4x67x1024xf32, #tpu.memory_space<vmem>>, vector<1x64x1024xf32>
    %swap3A_133 = vector.shape_cast %swap3A_132 : vector<1x64x1024xf32> to vector<64x1024xf32>
    %swap3A_134 = vector.shape_cast %get3A_128 : vector<64x1024xf32> to vector<1x64x1024xf32>
    tpu.vector_store %arg6[%swap3A_129, %swap3A_130, %swap3A_131], %swap3A_134 {strides = array<i32>} : memref<4x67x1024xf32, #tpu.memory_space<vmem>>, vector<1x64x1024xf32>,
    %get3A_135 = arith.constant 2 : index
    %get3A_136 = arith.constant 0 : index
    %get3A_137 = arith.constant 0 : index
    %get3A_138 = vector.load %arg6[%get3A_135, %get3A_136, %get3A_137] : memref<4x67x1024xf32, #tpu.memory_space<vmem>>, vector<1x67x1024xf32>
    %get3A_139 = vector.shape_cast %get3A_138 : vector<1x67x1024xf32> to vector<67x1024xf32>
    %dot_general3A_140 = arith.constant dense<0.000000e+00> : vector<1024x1024xf32>
    %dot_general3A_141 = tpu.matmul %get3A_3, %get3A_139, %dot_general3A_140 {dimension_numbers = #tpu.dot_dimension_numbers<[1], [0], [0], [1], [0, 0, 1, 1], [], []>, transpose_lhs_hint = false} : vector<1024x67xf32>, vector<67x1024xf32>, vector<1024x1024xf32> -> vector<1024x1024xf32>
    %reduce_min3A_142 = arith.constant dense<0x7F800000> : vector<1024xf32>
    %reduce_min3A_143 = vector.multi_reduction <minimumf>, %dot_general3A_141, %reduce_min3A_142 [0] : vector<1024x1024xf32> to vector<1024xf32>
    %broadcast_in_dim3A_144 = vector.shape_cast %reduce_min3A_143 : vector<1024xf32> to vector<1x1024xf32>
    %eq3A_145 = vector.broadcast %broadcast_in_dim3A_144 : vector<1x1024xf32> to vector<1024x1024xf32>
    %eq3A_146 = arith.cmpf oeq, %dot_general3A_141, %eq3A_145 : vector<1024x1024xf32>
    %jit3A_147 = arith.constant 1.000000e+00 : f32
    %jit3A_148 = arith.constant 0.000000e+00 : f32
    %broadcast_in_dim3A_149 = vector.broadcast %jit3A_147 : f32 to vector<1024x1024xf32>
    %broadcast_in_dim3A_150 = vector.broadcast %jit3A_148 : f32 to vector<1024x1024xf32>
    %select_n3A_151 = arith.select %eq3A_146, %broadcast_in_dim3A_149, %broadcast_in_dim3A_150 : vector<1024x1024xi1>, vector<1024x1024xf32>
    %dot_general3A_152 = arith.constant dense<0.000000e+00> : vector<3x1024xf32>
    %dot_general3A_153 = tpu.matmul %get3A_6, %select_n3A_151, %dot_general3A_152 {dimension_numbers = #tpu.dot_dimension_numbers<[0], [0], [1], [1], [0, 1, 1, 1], [], []>, transpose_lhs_hint = false} : vector<1024x3xf32>, vector<1024x1024xf32>, vector<3x1024xf32> -> vector<3x1024xf32>
    %slice3A_154 = vector.extract_strided_slice %dot_general3A_153 {offsets = [0, 0], sizes = [1, 1024], strides = [1, 1]} : vector<3x1024xf32> to vector<1x1024xf32>
    %squeeze3A_155 = vector.shape_cast %slice3A_154 : vector<1x1024xf32> to vector<1024xf32>
    %slice3A_156 = vector.extract_strided_slice %dot_general3A_153 {offsets = [1, 0], sizes = [1, 1024], strides = [1, 1]} : vector<3x1024xf32> to vector<1x1024xf32>
    %squeeze3A_157 = vector.shape_cast %slice3A_156 : vector<1x1024xf32> to vector<1024xf32>
    %add3A_158 = arith.addf %squeeze3A_155, %squeeze3A_157 : vector<1024xf32>
    %convert_element_type3A_159 = arith.fptosi %add3A_158 : vector<1024xf32> to vector<1024xi32>
    %swap3A_160 = arith.constant 2 : index
    %swap3A_161 = arith.constant 0 : index
    %swap3A_162 = arith.constant 0 : index
    %swap3A_163 = vector.load %arg4[%swap3A_160, %swap3A_161, %swap3A_162] : memref<4x1x1024xi32, #tpu.memory_space<vmem>>, vector<1x1x1024xi32>
    %swap3A_164 = vector.shape_cast %swap3A_163 : vector<1x1x1024xi32> to vector<1024xi32>
    %swap3A_165 = vector.shape_cast %convert_element_type3A_159 : vector<1024xi32> to vector<1x1x1024xi32>
    tpu.vector_store %arg4[%swap3A_160, %swap3A_161, %swap3A_162], %swap3A_165 {strides = array<i32>} : memref<4x1x1024xi32, #tpu.memory_space<vmem>>, vector<1x1x1024xi32>,
    %slice3A_166 = vector.extract_strided_slice %dot_general3A_153 {offsets = [2, 0], sizes = [1, 1024], strides = [1, 1]} : vector<3x1024xf32> to vector<1x1024xf32>
    %squeeze3A_167 = vector.shape_cast %slice3A_166 : vector<1x1024xf32> to vector<1024xf32>
    %max3A_168 = arith.maximumf %max3A_105, %squeeze3A_167 : vector<1024xf32>
    %get3A_169 = arith.constant 2 : index
    %get3A_170 = arith.constant 0 : index
    %get3A_171 = arith.constant 0 : index
    %get3A_172 = vector.load %arg1[%get3A_169, %get3A_170, %get3A_171] : memref<4x64x1024xf32, #tpu.memory_space<vmem>>, vector<1x64x1024xf32>
    %get3A_173 = vector.shape_cast %get3A_172 : vector<1x64x1024xf32> to vector<64x1024xf32>
    %reduce_sum3A_174 = vector.shape_cast %reduce_min3A_143 : vector<1024xf32> to vector<1x1024xf32>
    %reduce_sum3A_175 = arith.constant dense<0.000000e+00> : vector<1xf32>
    %reduce_sum3A_176 = vector.multi_reduction <add>, %reduce_sum3A_174, %reduce_sum3A_175 [1] : vector<1x1024xf32> to vector<1xf32>
    %reduce_sum3A_177 = vector.shape_cast %reduce_sum3A_176 : vector<1xf32> to vector<1x1xf32>
    %reduce_sum3A_178 = vector.extract %reduce_sum3A_177[0, 0] : f32 from vector<1x1xf32>
    %mul3A_179 = arith.mulf %get3A_173, %get3A_173 : vector<64x1024xf32>
    %reduce_sum3A_180 = vector.shape_cast %mul3A_179 : vector<64x1024xf32> to vector<1x64x1024xf32>
    %reduce_sum3A_181 = arith.constant dense<0.000000e+00> : vector<1xf32>
    %reduce_sum3A_182 = vector.multi_reduction <add>, %reduce_sum3A_180, %reduce_sum3A_181 [1, 2] : vector<1x64x1024xf32> to vector<1xf32>
    %reduce_sum3A_183 = vector.shape_cast %reduce_sum3A_182 : vector<1xf32> to vector<1x1x1xf32>
    %reduce_sum3A_184 = vector.extract %reduce_sum3A_183[0, 0, 0] : f32 from vector<1x1x1xf32>
    %add3A_185 = arith.addf %reduce_sum3A_178, %reduce_sum3A_184 : f32
    %add3A_186 = arith.addf %add3A_123, %add3A_185 : f32
    %get3A_187 = arith.constant 3 : index
    %get3A_188 = arith.constant 0 : index
    %get3A_189 = arith.constant 0 : index
    %get3A_190 = vector.load %arg1[%get3A_187, %get3A_188, %get3A_189] : memref<4x64x1024xf32, #tpu.memory_space<vmem>>, vector<1x64x1024xf32>
    %get3A_191 = vector.shape_cast %get3A_190 : vector<1x64x1024xf32> to vector<64x1024xf32>
    %swap3A_192 = arith.constant 3 : index
    %swap3A_193 = arith.constant 0 : index
    %swap3A_194 = arith.constant 0 : index
    %swap3A_195 = vector.load %arg6[%swap3A_192, %swap3A_193, %swap3A_194] : memref<4x67x1024xf32, #tpu.memory_space<vmem>>, vector<1x64x1024xf32>
    %swap3A_196 = vector.shape_cast %swap3A_195 : vector<1x64x1024xf32> to vector<64x1024xf32>
    %swap3A_197 = vector.shape_cast %get3A_191 : vector<64x1024xf32> to vector<1x64x1024xf32>
    tpu.vector_store %arg6[%swap3A_192, %swap3A_193, %swap3A_194], %swap3A_197 {strides = array<i32>} : memref<4x67x1024xf32, #tpu.memory_space<vmem>>, vector<1x64x1024xf32>,
    %get3A_198 = arith.constant 3 : index
    %get3A_199 = arith.constant 0 : index
    %get3A_200 = arith.constant 0 : index
    %get3A_201 = vector.load %arg6[%get3A_198, %get3A_199, %get3A_200] : memref<4x67x1024xf32, #tpu.memory_space<vmem>>, vector<1x67x1024xf32>
    %get3A_202 = vector.shape_cast %get3A_201 : vector<1x67x1024xf32> to vector<67x1024xf32>
    %dot_general3A_203 = arith.constant dense<0.000000e+00> : vector<1024x1024xf32>
    %dot_general3A_204 = tpu.matmul %get3A_3, %get3A_202, %dot_general3A_203 {dimension_numbers = #tpu.dot_dimension_numbers<[1], [0], [0], [1], [0, 0, 1, 1], [], []>, transpose_lhs_hint = false} : vector<1024x67xf32>, vector<67x1024xf32>, vector<1024x1024xf32> -> vector<1024x1024xf32>
    %reduce_min3A_205 = arith.constant dense<0x7F800000> : vector<1024xf32>
    %reduce_min3A_206 = vector.multi_reduction <minimumf>, %dot_general3A_204, %reduce_min3A_205 [0] : vector<1024x1024xf32> to vector<1024xf32>
    %broadcast_in_dim3A_207 = vector.shape_cast %reduce_min3A_206 : vector<1024xf32> to vector<1x1024xf32>
    %eq3A_208 = vector.broadcast %broadcast_in_dim3A_207 : vector<1x1024xf32> to vector<1024x1024xf32>
    %eq3A_209 = arith.cmpf oeq, %dot_general3A_204, %eq3A_208 : vector<1024x1024xf32>
    %jit3A_210 = arith.constant 1.000000e+00 : f32
    %jit3A_211 = arith.constant 0.000000e+00 : f32
    %broadcast_in_dim3A_212 = vector.broadcast %jit3A_210 : f32 to vector<1024x1024xf32>
    %broadcast_in_dim3A_213 = vector.broadcast %jit3A_211 : f32 to vector<1024x1024xf32>
    %select_n3A_214 = arith.select %eq3A_209, %broadcast_in_dim3A_212, %broadcast_in_dim3A_213 : vector<1024x1024xi1>, vector<1024x1024xf32>
    %dot_general3A_215 = arith.constant dense<0.000000e+00> : vector<3x1024xf32>
    %dot_general3A_216 = tpu.matmul %get3A_6, %select_n3A_214, %dot_general3A_215 {dimension_numbers = #tpu.dot_dimension_numbers<[0], [0], [1], [1], [0, 1, 1, 1], [], []>, transpose_lhs_hint = false} : vector<1024x3xf32>, vector<1024x1024xf32>, vector<3x1024xf32> -> vector<3x1024xf32>
    %slice3A_217 = vector.extract_strided_slice %dot_general3A_216 {offsets = [0, 0], sizes = [1, 1024], strides = [1, 1]} : vector<3x1024xf32> to vector<1x1024xf32>
    %squeeze3A_218 = vector.shape_cast %slice3A_217 : vector<1x1024xf32> to vector<1024xf32>
    %slice3A_219 = vector.extract_strided_slice %dot_general3A_216 {offsets = [1, 0], sizes = [1, 1024], strides = [1, 1]} : vector<3x1024xf32> to vector<1x1024xf32>
    %squeeze3A_220 = vector.shape_cast %slice3A_219 : vector<1x1024xf32> to vector<1024xf32>
    %add3A_221 = arith.addf %squeeze3A_218, %squeeze3A_220 : vector<1024xf32>
    %convert_element_type3A_222 = arith.fptosi %add3A_221 : vector<1024xf32> to vector<1024xi32>
    %swap3A_223 = arith.constant 3 : index
    %swap3A_224 = arith.constant 0 : index
    %swap3A_225 = arith.constant 0 : index
    %swap3A_226 = vector.load %arg4[%swap3A_223, %swap3A_224, %swap3A_225] : memref<4x1x1024xi32, #tpu.memory_space<vmem>>, vector<1x1x1024xi32>
    %swap3A_227 = vector.shape_cast %swap3A_226 : vector<1x1x1024xi32> to vector<1024xi32>
    %swap3A_228 = vector.shape_cast %convert_element_type3A_222 : vector<1024xi32> to vector<1x1x1024xi32>
    tpu.vector_store %arg4[%swap3A_223, %swap3A_224, %swap3A_225], %swap3A_228 {strides = array<i32>} : memref<4x1x1024xi32, #tpu.memory_space<vmem>>, vector<1x1x1024xi32>,
    %slice3A_229 = vector.extract_strided_slice %dot_general3A_216 {offsets = [2, 0], sizes = [1, 1024], strides = [1, 1]} : vector<3x1024xf32> to vector<1x1024xf32>
    %squeeze3A_230 = vector.shape_cast %slice3A_229 : vector<1x1024xf32> to vector<1024xf32>
    %max3A_231 = arith.maximumf %max3A_168, %squeeze3A_230 : vector<1024xf32>
    %get3A_232 = arith.constant 3 : index
    %get3A_233 = arith.constant 0 : index
    %get3A_234 = arith.constant 0 : index
    %get3A_235 = vector.load %arg1[%get3A_232, %get3A_233, %get3A_234] : memref<4x64x1024xf32, #tpu.memory_space<vmem>>, vector<1x64x1024xf32>
    %get3A_236 = vector.shape_cast %get3A_235 : vector<1x64x1024xf32> to vector<64x1024xf32>
    %reduce_sum3A_237 = vector.shape_cast %reduce_min3A_206 : vector<1024xf32> to vector<1x1024xf32>
    %reduce_sum3A_238 = arith.constant dense<0.000000e+00> : vector<1xf32>
    %reduce_sum3A_239 = vector.multi_reduction <add>, %reduce_sum3A_237, %reduce_sum3A_238 [1] : vector<1x1024xf32> to vector<1xf32>
    %reduce_sum3A_240 = vector.shape_cast %reduce_sum3A_239 : vector<1xf32> to vector<1x1xf32>
    %reduce_sum3A_241 = vector.extract %reduce_sum3A_240[0, 0] : f32 from vector<1x1xf32>
    %mul3A_242 = arith.mulf %get3A_236, %get3A_236 : vector<64x1024xf32>
    %reduce_sum3A_243 = vector.shape_cast %mul3A_242 : vector<64x1024xf32> to vector<1x64x1024xf32>
    %reduce_sum3A_244 = arith.constant dense<0.000000e+00> : vector<1xf32>
    %reduce_sum3A_245 = vector.multi_reduction <add>, %reduce_sum3A_243, %reduce_sum3A_244 [1, 2] : vector<1x64x1024xf32> to vector<1xf32>
    %reduce_sum3A_246 = vector.shape_cast %reduce_sum3A_245 : vector<1xf32> to vector<1x1x1xf32>
    %reduce_sum3A_247 = vector.extract %reduce_sum3A_246[0, 0, 0] : f32 from vector<1x1x1xf32>
    %add3A_248 = arith.addf %reduce_sum3A_241, %reduce_sum3A_247 : f32
    %add3A_249 = arith.addf %add3A_186, %add3A_248 : f32
    %get3A_250 = arith.constant 0 : index
    %get3A_251 = arith.constant 0 : index
    %get3A_252 = memref.load %arg3[%get3A_250, %get3A_251] : memref<1x1xf32, #tpu.memory_space<smem>>
    %add3A_253 = arith.addf %get3A_252, %add3A_249 : f32
    %swap3A_254 = arith.constant 0 : index
    %swap3A_255 = arith.constant 0 : index
    %swap3A_256 = memref.load %arg3[%swap3A_254, %swap3A_255] : memref<1x1xf32, #tpu.memory_space<smem>>
    memref.store %add3A_253, %arg3[%swap3A_254, %swap3A_255] : memref<1x1xf32, #tpu.memory_space<smem>>
    %eq3A_257 = arith.constant 3 : i32
    %eq3A_258 = arith.cmpi eq, %arg0, %eq3A_257 : i32
    %convert_element_type3A_259 = arith.extui %eq3A_258 : i1 to i32
    %cond3A_260 = arith.constant 0 : i32
    %cond3A_261 = arith.cmpi ne, %convert_element_type3A_259, %cond3A_260 : i32
    scf.if %cond3A_261 {
      %get3A_278 = arith.constant 0 : index
      %get3A_279 = arith.constant 0 : index
      %get3A_280 = memref.load %arg3[%get3A_278, %get3A_279] : memref<1x1xf32, #tpu.memory_space<smem>>
      %mul3A_281 = arith.constant 1.1920929E-6 : f32
      %mul3A_282 = arith.mulf %get3A_280, %mul3A_281 : f32
      %swap3A_283 = arith.constant 0 : index
      %swap3A_284 = arith.constant 0 : index
      %swap3A_285 = memref.load %arg3[%swap3A_283, %swap3A_284] : memref<1x1xf32, #tpu.memory_space<smem>>
      memref.store %mul3A_282, %arg3[%swap3A_283, %swap3A_284] : memref<1x1xf32, #tpu.memory_space<smem>>
    } else {
    }
    %gt3A = arith.constant 1.500000e+00 : f32
    %gt3A_262 = vector.broadcast %gt3A : f32 to vector<1024xf32>
    %gt3A_263 = arith.cmpf ogt, %max3A_231, %gt3A_262 : vector<1024xf32>
    %reduce_or3A = arith.constant 1.000000e+00 : f32
    %reduce_or3A_264 = arith.constant 0.000000e+00 : f32
    %reduce_or3A_265 = vector.broadcast %reduce_or3A : f32 to vector<1024xf32>
    %reduce_or3A_266 = vector.broadcast %reduce_or3A_264 : f32 to vector<1024xf32>
    %reduce_or3A_267 = arith.select %gt3A_263, %reduce_or3A_265, %reduce_or3A_266 : vector<1024xi1>, vector<1024xf32>
    %reduce_or3A_268 = vector.shape_cast %reduce_or3A_267 : vector<1024xf32> to vector<1x1024xf32>
    %reduce_or3A_269 = arith.constant dense<0xFF800000> : vector<1xf32>
    %reduce_or3A_270 = vector.multi_reduction <maximumf>, %reduce_or3A_268, %reduce_or3A_269 [1] : vector<1x1024xf32> to vector<1xf32>
    %reduce_or3A_271 = vector.shape_cast %reduce_or3A_270 : vector<1xf32> to vector<1x1xf32>
    %reduce_or3A_272 = vector.extract %reduce_or3A_271[0, 0] : f32 from vector<1x1xf32>
    %reduce_or3A_273 = arith.constant 0.000000e+00 : f32
    %reduce_or3A_274 = arith.cmpf ogt, %reduce_or3A_272, %reduce_or3A_273 : f32
    %convert_element_type3A_275 = arith.extui %reduce_or3A_274 : i1 to i32
    %cond3A_276 = arith.constant 0 : i32
    %cond3A_277 = arith.cmpi ne, %convert_element_type3A_275, %cond3A_276 : i32
    scf.if %cond3A_277 {
      %get3A_278 = arith.constant 0 : index
      %get3A_279 = arith.constant 0 : index
      %get3A_280 = arith.constant 0 : index
      %get3A_281 = vector.load %arg6[%get3A_278, %get3A_279, %get3A_280] : memref<4x67x1024xf32, #tpu.memory_space<vmem>>, vector<1x67x1024xf32>
      %get3A_282 = vector.shape_cast %get3A_281 : vector<1x67x1024xf32> to vector<67x1024xf32>
      %dot_general3A_283 = arith.constant dense<0.000000e+00> : vector<1024x1024xf32>
      %dot_general3A_284 = tpu.matmul %get3A_3, %get3A_282, %dot_general3A_283 {dimension_numbers = #tpu.dot_dimension_numbers<[1], [0], [0], [1], [0, 0, 1, 1], [], []>, transpose_lhs_hint = false} : vector<1024x67xf32>, vector<67x1024xf32>, vector<1024x1024xf32> -> vector<1024x1024xf32>
      %reduce_min3A_285 = arith.constant dense<0x7F800000> : vector<1024xf32>
      %reduce_min3A_286 = vector.multi_reduction <minimumf>, %dot_general3A_284, %reduce_min3A_285 [0] : vector<1024x1024xf32> to vector<1024xf32>
      %iota3A = tpu.iota {dimensions = array<i32: 0>} : vector<1024x1024xi32>
      %broadcast_in_dim3A_287 = vector.shape_cast %reduce_min3A_286 : vector<1024xf32> to vector<1x1024xf32>
      %eq3A_288 = vector.broadcast %broadcast_in_dim3A_287 : vector<1x1024xf32> to vector<1024x1024xf32>
      %eq3A_289 = arith.cmpf oeq, %dot_general3A_284, %eq3A_288 : vector<1024x1024xf32>
      %jit3A_290 = arith.constant 1024 : i32
      %broadcast_in_dim3A_291 = vector.broadcast %jit3A_290 : i32 to vector<1024x1024xi32>
      %select_n3A_292 = arith.select %eq3A_289, %iota3A, %broadcast_in_dim3A_291 : vector<1024x1024xi1>, vector<1024x1024xi32>
      %reduce_min3A_293 = arith.constant dense<2147483647> : vector<1024xi32>
      %reduce_min3A_294 = vector.multi_reduction <minsi>, %select_n3A_292, %reduce_min3A_293 [0] : vector<1024x1024xi32> to vector<1024xi32>
      %swap3A_295 = arith.constant 0 : index
      %swap3A_296 = arith.constant 0 : index
      %swap3A_297 = arith.constant 0 : index
      %swap3A_298 = vector.load %arg4[%swap3A_295, %swap3A_296, %swap3A_297] : memref<4x1x1024xi32, #tpu.memory_space<vmem>>, vector<1x1x1024xi32>
      %swap3A_299 = vector.shape_cast %swap3A_298 : vector<1x1x1024xi32> to vector<1024xi32>
      %swap3A_300 = vector.shape_cast %reduce_min3A_294 : vector<1024xi32> to vector<1x1x1024xi32>
      tpu.vector_store %arg4[%swap3A_295, %swap3A_296, %swap3A_297], %swap3A_300 {strides = array<i32>} : memref<4x1x1024xi32, #tpu.memory_space<vmem>>, vector<1x1x1024xi32>,
      %get3A_301 = arith.constant 1 : index
      %get3A_302 = arith.constant 0 : index
      %get3A_303 = arith.constant 0 : index
      %get3A_304 = vector.load %arg6[%get3A_301, %get3A_302, %get3A_303] : memref<4x67x1024xf32, #tpu.memory_space<vmem>>, vector<1x67x1024xf32>
      %get3A_305 = vector.shape_cast %get3A_304 : vector<1x67x1024xf32> to vector<67x1024xf32>
      %dot_general3A_306 = arith.constant dense<0.000000e+00> : vector<1024x1024xf32>
      %dot_general3A_307 = tpu.matmul %get3A_3, %get3A_305, %dot_general3A_306 {dimension_numbers = #tpu.dot_dimension_numbers<[1], [0], [0], [1], [0, 0, 1, 1], [], []>, transpose_lhs_hint = false} : vector<1024x67xf32>, vector<67x1024xf32>, vector<1024x1024xf32> -> vector<1024x1024xf32>
      %reduce_min3A_308 = arith.constant dense<0x7F800000> : vector<1024xf32>
      %reduce_min3A_309 = vector.multi_reduction <minimumf>, %dot_general3A_307, %reduce_min3A_308 [0] : vector<1024x1024xf32> to vector<1024xf32>
      %iota3A_310 = tpu.iota {dimensions = array<i32: 0>} : vector<1024x1024xi32>
      %broadcast_in_dim3A_311 = vector.shape_cast %reduce_min3A_309 : vector<1024xf32> to vector<1x1024xf32>
      %eq3A_312 = vector.broadcast %broadcast_in_dim3A_311 : vector<1x1024xf32> to vector<1024x1024xf32>
      %eq3A_313 = arith.cmpf oeq, %dot_general3A_307, %eq3A_312 : vector<1024x1024xf32>
      %jit3A_314 = arith.constant 1024 : i32
      %broadcast_in_dim3A_315 = vector.broadcast %jit3A_314 : i32 to vector<1024x1024xi32>
      %select_n3A_316 = arith.select %eq3A_313, %iota3A_310, %broadcast_in_dim3A_315 : vector<1024x1024xi1>, vector<1024x1024xi32>
      %reduce_min3A_317 = arith.constant dense<2147483647> : vector<1024xi32>
      %reduce_min3A_318 = vector.multi_reduction <minsi>, %select_n3A_316, %reduce_min3A_317 [0] : vector<1024x1024xi32> to vector<1024xi32>
      %swap3A_319 = arith.constant 1 : index
      %swap3A_320 = arith.constant 0 : index
      %swap3A_321 = arith.constant 0 : index
      %swap3A_322 = vector.load %arg4[%swap3A_319, %swap3A_320, %swap3A_321] : memref<4x1x1024xi32, #tpu.memory_space<vmem>>, vector<1x1x1024xi32>
      %swap3A_323 = vector.shape_cast %swap3A_322 : vector<1x1x1024xi32> to vector<1024xi32>
      %swap3A_324 = vector.shape_cast %reduce_min3A_318 : vector<1024xi32> to vector<1x1x1024xi32>
      tpu.vector_store %arg4[%swap3A_319, %swap3A_320, %swap3A_321], %swap3A_324 {strides = array<i32>} : memref<4x1x1024xi32, #tpu.memory_space<vmem>>, vector<1x1x1024xi32>,
      %get3A_325 = arith.constant 2 : index
      %get3A_326 = arith.constant 0 : index
      %get3A_327 = arith.constant 0 : index
      %get3A_328 = vector.load %arg6[%get3A_325, %get3A_326, %get3A_327] : memref<4x67x1024xf32, #tpu.memory_space<vmem>>, vector<1x67x1024xf32>
      %get3A_329 = vector.shape_cast %get3A_328 : vector<1x67x1024xf32> to vector<67x1024xf32>
      %dot_general3A_330 = arith.constant dense<0.000000e+00> : vector<1024x1024xf32>
      %dot_general3A_331 = tpu.matmul %get3A_3, %get3A_329, %dot_general3A_330 {dimension_numbers = #tpu.dot_dimension_numbers<[1], [0], [0], [1], [0, 0, 1, 1], [], []>, transpose_lhs_hint = false} : vector<1024x67xf32>, vector<67x1024xf32>, vector<1024x1024xf32> -> vector<1024x1024xf32>
      %reduce_min3A_332 = arith.constant dense<0x7F800000> : vector<1024xf32>
      %reduce_min3A_333 = vector.multi_reduction <minimumf>, %dot_general3A_331, %reduce_min3A_332 [0] : vector<1024x1024xf32> to vector<1024xf32>
      %iota3A_334 = tpu.iota {dimensions = array<i32: 0>} : vector<1024x1024xi32>
      %broadcast_in_dim3A_335 = vector.shape_cast %reduce_min3A_333 : vector<1024xf32> to vector<1x1024xf32>
      %eq3A_336 = vector.broadcast %broadcast_in_dim3A_335 : vector<1x1024xf32> to vector<1024x1024xf32>
      %eq3A_337 = arith.cmpf oeq, %dot_general3A_331, %eq3A_336 : vector<1024x1024xf32>
      %jit3A_338 = arith.constant 1024 : i32
      %broadcast_in_dim3A_339 = vector.broadcast %jit3A_338 : i32 to vector<1024x1024xi32>
      %select_n3A_340 = arith.select %eq3A_337, %iota3A_334, %broadcast_in_dim3A_339 : vector<1024x1024xi1>, vector<1024x1024xi32>
      %reduce_min3A_341 = arith.constant dense<2147483647> : vector<1024xi32>
      %reduce_min3A_342 = vector.multi_reduction <minsi>, %select_n3A_340, %reduce_min3A_341 [0] : vector<1024x1024xi32> to vector<1024xi32>
      %swap3A_343 = arith.constant 2 : index
      %swap3A_344 = arith.constant 0 : index
      %swap3A_345 = arith.constant 0 : index
      %swap3A_346 = vector.load %arg4[%swap3A_343, %swap3A_344, %swap3A_345] : memref<4x1x1024xi32, #tpu.memory_space<vmem>>, vector<1x1x1024xi32>
      %swap3A_347 = vector.shape_cast %swap3A_346 : vector<1x1x1024xi32> to vector<1024xi32>
      %swap3A_348 = vector.shape_cast %reduce_min3A_342 : vector<1024xi32> to vector<1x1x1024xi32>
      tpu.vector_store %arg4[%swap3A_343, %swap3A_344, %swap3A_345], %swap3A_348 {strides = array<i32>} : memref<4x1x1024xi32, #tpu.memory_space<vmem>>, vector<1x1x1024xi32>,
      %get3A_349 = arith.constant 3 : index
      %get3A_350 = arith.constant 0 : index
      %get3A_351 = arith.constant 0 : index
      %get3A_352 = vector.load %arg6[%get3A_349, %get3A_350, %get3A_351] : memref<4x67x1024xf32, #tpu.memory_space<vmem>>, vector<1x67x1024xf32>
      %get3A_353 = vector.shape_cast %get3A_352 : vector<1x67x1024xf32> to vector<67x1024xf32>
      %dot_general3A_354 = arith.constant dense<0.000000e+00> : vector<1024x1024xf32>
      %dot_general3A_355 = tpu.matmul %get3A_3, %get3A_353, %dot_general3A_354 {dimension_numbers = #tpu.dot_dimension_numbers<[1], [0], [0], [1], [0, 0, 1, 1], [], []>, transpose_lhs_hint = false} : vector<1024x67xf32>, vector<67x1024xf32>, vector<1024x1024xf32> -> vector<1024x1024xf32>
      %reduce_min3A_356 = arith.constant dense<0x7F800000> : vector<1024xf32>
      %reduce_min3A_357 = vector.multi_reduction <minimumf>, %dot_general3A_355, %reduce_min3A_356 [0] : vector<1024x1024xf32> to vector<1024xf32>
      %iota3A_358 = tpu.iota {dimensions = array<i32: 0>} : vector<1024x1024xi32>
      %broadcast_in_dim3A_359 = vector.shape_cast %reduce_min3A_357 : vector<1024xf32> to vector<1x1024xf32>
      %eq3A_360 = vector.broadcast %broadcast_in_dim3A_359 : vector<1x1024xf32> to vector<1024x1024xf32>
      %eq3A_361 = arith.cmpf oeq, %dot_general3A_355, %eq3A_360 : vector<1024x1024xf32>
      %jit3A_362 = arith.constant 1024 : i32
      %broadcast_in_dim3A_363 = vector.broadcast %jit3A_362 : i32 to vector<1024x1024xi32>
      %select_n3A_364 = arith.select %eq3A_361, %iota3A_358, %broadcast_in_dim3A_363 : vector<1024x1024xi1>, vector<1024x1024xi32>
      %reduce_min3A_365 = arith.constant dense<2147483647> : vector<1024xi32>
      %reduce_min3A_366 = vector.multi_reduction <minsi>, %select_n3A_364, %reduce_min3A_365 [0] : vector<1024x1024xi32> to vector<1024xi32>
      %swap3A_367 = arith.constant 3 : index
      %swap3A_368 = arith.constant 0 : index
      %swap3A_369 = arith.constant 0 : index
      %swap3A_370 = vector.load %arg4[%swap3A_367, %swap3A_368, %swap3A_369] : memref<4x1x1024xi32, #tpu.memory_space<vmem>>, vector<1x1x1024xi32>
      %swap3A_371 = vector.shape_cast %swap3A_370 : vector<1x1x1024xi32> to vector<1024xi32>
      %swap3A_372 = vector.shape_cast %reduce_min3A_366 : vector<1024xi32> to vector<1x1x1024xi32>
      tpu.vector_store %arg4[%swap3A_367, %swap3A_368, %swap3A_369], %swap3A_372 {strides = array<i32>} : memref<4x1x1024xi32, #tpu.memory_space<vmem>>, vector<1x1x1024xi32>,
    } else {
    }
    return
  }
  func.func @transform_0(%arg0: i32) -> (i32, i32, i32) {
    %c0_i32 = arith.constant 0 : i32
    %c0_i32_0 = arith.constant 0 : i32
    %c0_i32_1 = arith.constant 0 : i32
    return %arg0, %c0_i32, %c0_i32_0 : i32, i32, i32
  }
  func.func @transform_1(%arg0: i32) -> (i32, i32) {
    %c0_i32 = arith.constant 0 : i32
    %c0_i32_0 = arith.constant 0 : i32
    %c0_i32_1 = arith.constant 0 : i32
    return %c0_i32, %c0_i32_0 : i32, i32
  }
  func.func @transform_2(%arg0: i32) -> (i32, i32) {
    %c0_i32 = arith.constant 0 : i32
    %c0_i32_0 = arith.constant 0 : i32
    %c0_i32_1 = arith.constant 0 : i32
    return %c0_i32, %c0_i32_0 : i32, i32
  }
  func.func @transform_3(%arg0: i32) -> (i32, i32, i32) {
    %c0_i32 = arith.constant 0 : i32
    %c0_i32_0 = arith.constant 0 : i32
    %c0_i32_1 = arith.constant 0 : i32
    return %arg0, %c0_i32, %c0_i32_0 : i32, i32, i32
  }
}

</mosaic_0001>

<sc_bundles>
// kernel: kernel.5.cloned.1.call-start
scs
__scs_entry_jumppad:
0x0: {  	(pc) =	sbr.rel $0x88, $3  }
0x1: {  	(tag) =	ssettag $0x0;
	lr =	simm.s32 $0x1  }
0x2: {  	[smem:$0x3F9F] =	sst lr;
	_ =	strace $0xD0000000  }
0x3: {  	_ = 	snop  }
0x4: {  	_ = 	snop  }
0x5: {  	_ = 	snop  }
0x6: {  	_ = 	snop  }
0x7: {  	_ = 	snop  }
__scs_overlays_trampoline_lowered:
0x8: {  	[smem:$0x3FAE] =	sst s0  }
0x9: {  	[smem:$0x3FAF] =	sst s1  }
0xa: {  	[smem:$0x3FB0] =	sst s2  }
0xb: {  	[smem:$0x3FB1] =	sst s3  }
0xc: {  	[smem:$0x3FB2] =	sst s4  }
0xd: {  	[smem:$0x3FB3] =	sst s5  }
0xe: {  	[smem:$0x3FB4] =	sst s6  }
0xf: {  	[smem:$0x3FB5] =	sst s7  }
0x10: {  	[smem:$0x3FB6] =	sst s8  }
0x11: {  	[smem:$0x3FB7] =	sst s9;
	s0 =	simm.s32 @!p0 $0x0  }
0x12: {  	s1 =	sld [smem:$0x3F9D];
	s0 =	simm.s32 @p0 $0x1  }
0x13: {  	[smem:$0x3FB8] =	sst s0;
	s0 =	simm.s32 @!p1 $0x0  }
0x14: {  	s2 =	sld [smem:$0x3F9C];
	s0 =	simm.s32 @p1 $0x1  }
0x15: {  	[smem:$0x3FB9] =	sst s0;
	s0 =	simm.s32 @!p2 $0x0  }
0x16: {  	s3 =	sld [smem:$0x3FDB];
	s0 =	simm.s32 @p2 $0x1  }
0x17: {  	s4 =	simm.s32 $0x1BF5;
	[smem:$0x3FBB] =	sst s0  }
0x18: {  	s0 =	sld [smem:$0x3F9E];
	_ =	swait.ge [sflag:s4], $0x0  }
0x19: {  	s7 =	sld [smem:$0x3F9F]  }
0x1a: {  	s8 =	sadd.s32 $0xFFFFE003, lr  }
0x1b: {  	s9 =	sadd.s32 $0xFFFFFEF7, lr;
	s5 =	simm.s32 $0xFFFFFFFF;
	p2 =	slt.u32 s8, $0xFFFFF086  }
0x1c: {  	p1 =	slt.u32 s9, $0xF7A;
	s5 =	simm.s32 @!p2 $0x0  }
0x1d: {  	s5 =	simm.s32 @p1 $0x1;
	p0 =	seq.s32 s7, s2  }
0x1e: {  	s7 =	smul.u32 @!p0 $0xF7A, s2;
	p2 =	seq.s32 @!p0 s5, $0x0  }
0x1f: {  	s9 =	smul.u32 $0xF7A, s1;
	s8 =	simm.s32 @!p0 $0x1BF5;
	p2 =	por !p2, p0  }
0x20: {  	[sflag:s8] =	ssyncset.s32 @!p0 $0xFFFFF086;
	s6 =	sadd.s32 @!p0 s3, s7;
	s7 =	simm.s32 @!p0 $0x108  }
0x21: {  	s3 =	sadd.s32 s3, s9;
	s6 =	sadd.s32 @!p0 $0x88, s6;
	s7 =	simm.s32 @p2 $0x1082  }
0x22: {  	[simem:s7], [sflag:s8] =	dma.local @!p0 [hbm:s6], $0xF7A  }
0x23: {  	s9 =	sor.u32 $0xD0000000, s2;
	s6 =	simm.s32 $0x108;
	_ =	swait.ge @!p0 [sflag:s8], $0x0  }
0x24: {  	s3 =	sadd.s32 $0x88, s3;
	s6 =	simm.s32 @!p1 $0x1082;
	[sflag:s4] =	ssyncset.s32 $0xFFFFF086  }
0x25: {  	[simem:s6], [sflag:s4] =	dma.local [hbm:s3], $0xF7A  }
0x26: {  	[smem:$0x3F9F] =	sst s1;
	(tag) =	ssettag s2;
	_ =	strace s9  }
0x27: {  	s1 =	sld [smem:$0x3FAF]  }
0x28: {  	s2 =	sld [smem:$0x3FB0]  }
0x29: {  	s4 =	sld [smem:$0x3FB2]  }
0x2a: {  	p0 =	seq.s32 s5, $0x0;
	s5 =	sld [smem:$0x3FB3]  }
0x2b: {  	s6 =	sld [smem:$0x3FB4]  }
0x2c: {  	s7 =	sld [smem:$0x3FB5]  }
0x2d: {  	s3 =	simm.s32 $0x108;
	s8 =	sld [smem:$0x3FB6]  }
0x2e: {  	s3 =	simm.s32 @!p0 $0x1082;
	s9 =	sld [smem:$0x3FB7]  }
0x2f: {  	lr =	sadd.s32 s0, s3;
	s0 =	sld [smem:$0x3FAE]  }
0x30: {  	s3 =	sld [smem:$0x3FB1]  }
0x31: {  	[smem:$0x3FBA] =	sst s10  }
0x32: {  	s10 =	sld [smem:$0x3FB8];
	_ =	sdelay $0x3  }
0x33: {  	p0 =	seq.s32 s10, $0x1;
	s10 =	sld [smem:$0x3FBA];
	_ =	sdelay $0x3  }
0x34: {  	[smem:$0x3FBA] =	sst s10  }
0x35: {  	s10 =	sld [smem:$0x3FB9];
	_ =	sdelay $0x3  }
0x36: {  	p1 =	seq.s32 s10, $0x1;
	s10 =	sld [smem:$0x3FBA];
	_ =	sdelay $0x3  }
0x37: {  	[smem:$0x3FBA] =	sst s10  }
0x38: {  	s10 =	sld [smem:$0x3FBB]  }
0x39: {  	_ = 	snop;
	(pc) =	sbr.ind lr, $3  }
0x3a: {  	_ = 	snop  }
0x3b: {  	_ = 	snop  }
0x3c: {  	p2 =	seq.s32 s10, $0x1;
	s10 =	sld [smem:$0x3FBA]  }
0x3d: {  	_ =	shalt  }
0x3e: {  	_ =	shalt  }
0x3f: {  	_ =	shalt  }
0x40: {  	_ =	shalt  }
0x41: {  	_ =	shalt  }
0x42: {  	_ =	shalt  }
0x43: {  	_ =	shalt  }
0x44: {  	_ =	shalt  }
0x45: {  	_ =	shalt  }
0x46: {  	_ =	shalt  }
0x47: {  	_ =	shalt  }
0x48: {  	_ =	shalt  }
0x49: {  	_ =	shalt  }
0x4a: {  	_ =	shalt  }
0x4b: {  	_ =	shalt  }
0x4c: {  	_ =	shalt  }
0x4d: {  	_ =	shalt  }
0x4e: {  	_ =	shalt  }
0x4f: {  	_ =	shalt  }
0x50: {  	_ =	shalt  }
0x51: {  	_ =	shalt  }
0x52: {  	_ =	shalt  }
0x53: {  	_ =	shalt  }
0x54: {  	_ =	shalt  }
0x55: {  	_ =	shalt  }
0x56: {  	_ =	shalt  }
0x57: {  	_ =	shalt  }
0x58: {  	_ =	shalt  }
0x59: {  	_ =	shalt  }
0x5a: {  	_ =	shalt  }
0x5b: {  	_ =	shalt  }
0x5c: {  	_ =	shalt  }
0x5d: {  	_ =	shalt  }
0x5e: {  	_ =	shalt  }
0x5f: {  	_ =	shalt  }
0x60: {  	_ =	shalt  }
0x61: {  	_ =	shalt  }
0x62: {  	_ =	shalt  }
0x63: {  	_ =	shalt  }
0x64: {  	_ =	shalt  }
0x65: {  	_ =	shalt  }
0x66: {  	_ =	shalt  }
0x67: {  	_ =	shalt  }
0x68: {  	_ =	shalt  }
0x69: {  	_ =	shalt  }
0x6a: {  	_ =	shalt  }
0x6b: {  	_ =	shalt  }
0x6c: {  	_ =	shalt  }
0x6d: {  	_ =	shalt  }
0x6e: {  	_ =	shalt  }
0x6f: {  	_ =	shalt  }
0x70: {  	_ =	shalt  }
0x71: {  	_ =	shalt  }
0x72: {  	_ =	shalt  }
0x73: {  	_ =	shalt  }
0x74: {  	_ =	shalt  }
0x75: {  	_ =	shalt  }
0x76: {  	_ =	shalt  }
0x77: {  	_ =	shalt  }
0x78: {  	_ =	shalt  }
0x79: {  	_ =	shalt  }
0x7a: {  	_ =	shalt  }
0x7b: {  	_ =	shalt  }
0x7c: {  	_ =	shalt  }
0x7d: {  	_ =	shalt  }
0x7e: {  	_ =	shalt  }
0x7f: {  	_ =	shalt  }
0x80: {  	_ =	shalt  }
0x81: {  	_ =	shalt  }
0x82: {  	_ =	shalt  }
0x83: {  	_ =	shalt  }
0x84: {  	_ =	shalt  }
0x85: {  	_ =	shalt  }
0x86: {  	_ =	shalt  }
0x87: {  	_ =	shalt  }
.Lfunc_end0:
.L_simem_size_0:
called_computation_lowered:
.L_overlay_start_0:
0x88: {  	s2 =	sld [smem:$0x3FD9]  }
0x89: {  	s3 =	sld [smem:$0x3FFE];
	_ =	sdelay $0x1  }
0x8a: {  	s1 =	srdreg.scid  }
0x8b: {  	s0 =	sand.u32 $0x1, s1  }
0x8c: {  	s14 =	sshll.u32 s0, $0xA;
	s2 =	sadd.s32 s3, s2  }
0x8d: {  	s2 =	sadd.s32 s2, s14  }
0x8e: {  	[smem:$0x3FC6] =	sst s2  }
0x8f: {  	_ = 	snop  }
0x90: {  	s2 =	sld [smem:$0x3FD0];
	_ =	sdelay $0x2  }
0x91: {  	s15 =	simm.s32 $0xA;
	s4 =	simm.s32 $0x10  }
0x92: {  	[smem:s4], [sflag:s15] =	dma.local [hbm:s2], $0x1  }
0x93: {  	_ =	swait.eq [sflag:s15], $0x1  }
0x94: {  	[sflag:s15] =	ssyncset.done $0x0  }
0x95: {  	s16 =	sld [smem:$0x11];
	[sflag:s15] =	ssyncadd.s32 $0xFFFFFFFF  }
0x96: {  	s17 =	sld [smem:$0x12];
	(tm) =	ssettm $0x1  }
0x97: {  	s18 =	sld [smem:$0x3FFB];
	_ =	sdelay $0x3  }
0x98: {  	_ =	strace s18  }
0x99: {  	s4 =	sld [smem:$0x3FFC];
	_ =	sdelay $0x3  }
0x9a: {  	_ =	strace s4  }
0x9b: {  	s4 =	sld [smem:$0x3FFD];
	_ =	sdelay $0x3  }
0x9c: {  	_ =	strace s4  }
0x9d: {  	_ =	strace $0x8FFFFFFF  }
0x9e: {  	s19 =	sld [smem:$0x3FDB];
	_ =	sdelay $0x1  }
0x9f: {  	s5 =	simm.s32 $_scs_section_size  }
0xa0: {  	s6 =	simm.s32 $_size__tile_overlayer_lowered;
	s7 =	simm.s32 $_tile_overlayer_lowered  }
0xa1: {  	s22 =	simm.s32 $0x1BFF;
	s21 =	sshll.u32 s7, $0x1;
	s4 =	sadd.s32 s5, s19  }
0xa2: {  	s8 =	simm.s32 $0x0;
	s20 =	sshll.u32 s6, $0x1;
	s6 =	sadd.s32 s21, s4  }
0xa3: {  	[timem:s8], [sflag:s22] =	dma.local [hbm:s6], s20  }
0xa4: {  	_ =	swait.ge [sflag:s22], s20  }
0xa5: {  	s5 =	ssub.s32 $0x0, s20;
	[sflag:s22] =	ssyncset.done $0x0  }
0xa6: {  	[sflag:s22] =	ssyncadd.s32 s5;
	_ =	sdelay $0x1  }
0xa7: {  	s23 =	simm.s32 $0x1B8B  }
0xa8: {  	_ =	swait.ge [sflag:s23], $0x1  }
0xa9: {  	[sflag:s23] =	ssyncset.done $0x0  }
0xaa: {  	s25 =	simm.s32 $0x1B8E;
	s24 =	sld [smem:$0x3FFE];
	[sflag:s23] =	ssyncadd.s32 $0xFFFFFFFF  }
0xab: {  	s26 =	simm.s32 $execute0_lowered;
	[smem:$0x3FD2] =	sst s25  }
0xac: {  	s6 =	sshll.u32 s26, $0x1;
	_ =	strace $0x80000046;
	[dreg:$0x1] =	wrdreg $0xFFFFFFFF  }
0xad: {  	s28 =	simm.s32 $_size_execute0_lowered;
	s4 =	sadd.s32 s4, s6;
	[dreg:$0x0] =	wrdreg $0x0  }
0xae: {  	s6 =	sshll.u32 s28, $0x1;
	[dreg:$0x2] =	wrdreg s4  }
0xaf: {  	[dreg:$0x3] =	wrdreg s6  }
0xb0: {  	[dreg:$0x4] =	wrdreg $0xC0  }
0xb1: {  	_ =	task [dreg:s8], $0x5FFFF  }
0xb2: {  	[dreg:$0x1] =	wrdreg $0xFFFFFFFF  }
0xb3: {  	[dreg:$0x0] =	wrdreg $0x60  }
0xb4: {  	[dreg:$0x2] =	wrdreg s24  }
0xb5: {  	[dreg:$0x3] =	wrdreg s17  }
0xb6: {  	[dreg:$0x4] =	wrdreg s16  }
0xb7: {  	[dreg:$0x5] =	wrdreg $0x9  }
0xb8: {  	_ =	task.clear_ibuf [dreg:s8], $0x6FFFF;
	_ =	strace $0x90000046  }
0xb9: {  	s29 =	simm.s32 $0x9;
	_ =	strace $0x80000048  }
0xba: {  	_ =	swait.ge [sflag:s29], $0x1  }
0xbb: {  	[sflag:s29] =	ssyncadd.s32 $0xFFFFFFFF  }
0xbc: {  	_ =	strace $0x90000048  }
0xbd: {  	_ =	sfence  }
0xbe: {  	s30 =	sld [smem:$0x0];
	_ =	sdelay $0x2  }
0xbf: {  	s31 =	sshll.u32 s1, $0xD;
	s1 =	sshrl.u32 s1, $0x2  }
0xc0: {  	s3 =	sand.u32 $0x4000, s31;
	s1 =	sadd.s32 s1, s30  }
0xc1: {  	s0 =	sor.u32 s3, s0;
	s1 =	sshll.u32 s1, $0x11  }
0xc2: {  	s0 =	sor.u32 s1, s0  }
0xc3: {  	s0 =	sadd.s32 $0x8F2B, s0  }
0xc4: {  	[sflag:s0] =	ssyncadd.remote.s32 $0x1  }
0xc5: {  	_ =	sfence.sel $0xFFFF  }
0xc6: {  	[dreg:$0x0] =	wrdreg $0xFFFFFFFF;
	(pc) =	sbr.abs _section_cstart, $3  }
0xc7: {  	[dreg:$0x1] =	wrdreg $0xFFFFFFFF  }
0xc8: {  	_ =	task.clear_ibuf [dreg:s8], $0x2FFFF;
	_ =	strace $0x9FFFFFFF  }
0xc9: {  	(tm) =	ssettm $0x7FFFFFFF  }
tec
execute0_lowered:
.L_overlay_start_1:
0x0: {  	(tag) =	ssettag $0x1  }
0x1: {  	s5 =	rddreg [dreg:$0x0]  }
0x2: {  	s1 =	srdreg.scid;
	s3 =	rddreg [dreg:$0x1]  }
0x3: {  	s0 =	stileid.u32;
	s8 =	rddreg [dreg:$0x2];
	s6 =	sand.u32 $0x1, s1  }
0x4: {  	s2 =	simm.s32 $0x0;
	s4 =	sshll.u32 s0, $0xA;
	s7 =	sshll.u32 s6, $0x9  }
0x5: {  	[smem:$0x7FF] =	sst s2;
	s9 =	sor.u32 s7, s4  }
0x6: {  	s1 =	rddreg [dreg:$0x3];
	_ =	strace $0x80000047;
	s4 =	sshrl.u32 s9, $0x3  }
0x7: {  	s10 =	ssub.s32 $0x2, s6;
	s4 =	sadd.s32 s3, s4;
	s3 =	simm.s32 $0x2  }
0x8: {  	[tilespmem:s2], [sflag:$0x2] =	stream.linear.gather [hbm4b:s4+s2], $0x200, $0x38;
	[tilespmem:$0x10200] =	vst v63  }
0x9: {  	s5 =	sadd.s32 $0x800, s5;
	s11 =	sshrl.u32 s10, $0x1;
	_ =	swait.ge [sflag:s3], $0x200  }
0xa: {  	s6 =	simm.s32 $0x200;
	s10 =	ssub.s32 s10, s11;
	[sflag:s3] =	ssyncset.done $0x0  }
0xb: {  	s7 =	simm.s32 $0x1;
	s31 =	smax.u32 s10, $0x1;
	[sflag:s3] =	ssyncadd.s32 $0xFFFFFE00  }
0xc: {  	[tilespmem:s6], [sflag:$0x1] =	stream.indirect.gather [hbm4b:s5+s6], $0x80, s2, s6, $0xb8;
	[tilespmem:$0x10200] =	vst v63  }
0xd: {  	p0 =	sne.s32 s31, $0x1;
	_ =	swait.ge [sflag:s7], $0x10000  }
.Ltmp0:
0xe: {  	s9 =	sshll.u32 s9, $0x4;
	[sflag:s7] =	ssyncset.done $0x0;
	(pc) =	sbr.rel @!p0 .LBB2_2-.Ltmp0, $4  }
0xf: {  	s8 =	sadd.s32 s8, s9;
	[sflag:s7] =	ssyncadd.s32 $0xFFFF0000  }
0x10: {  	[hbm4b:s8+s2] =	stream.linear.scatter [tilespmem:s6], [sflag:$0x2], $0x10000, $0x38;
	[tilespmem:$0x10200] =	vst v63  }
0x11: {  	_ =	swait.ge [sflag:s3], $0x10000  }
0x12: {  	s9 =	sadd.s32 $0xFFFFFFFF, s31;
	[sflag:s3] =	ssyncset.done $0x0  }
.LBB2_1:
0x13: {  	p0 =	sne.s32 s9, $0x1;
	s9 =	sadd.s32 $0xFFFFFFFF, s9;
	[sflag:s3] =	ssyncadd.s32 $0xFFFF0000  }
0x14: {  	[tilespmem:s2], [sflag:$0x2] =	stream.linear.gather [hbm4b:s4+s2], $0x200, $0x38;
	[tilespmem:$0x10200] =	vst v63  }
0x15: {  	_ =	swait.ge [sflag:s3], $0x200  }
0x16: {  	[sflag:s3] =	ssyncset.done $0x0  }
0x17: {  	[sflag:s3] =	ssyncadd.s32 $0xFFFFFE00  }
0x18: {  	[tilespmem:s6], [sflag:$0x1] =	stream.indirect.gather [hbm4b:s5+s6], $0x80, s2, s6, $0xb8;
	[tilespmem:$0x10200] =	vst v63  }
0x19: {  	_ =	swait.ge [sflag:s7], $0x10000  }
.Ltmp1:
0x1a: {  	[sflag:s7] =	ssyncset.done $0x0;
	(pc) =	sbr.rel @p0 .LBB2_1-.Ltmp1, $4  }
0x1b: {  	[sflag:s7] =	ssyncadd.s32 $0xFFFF0000  }
0x1c: {  	[hbm4b:s8+s2] =	stream.linear.scatter [tilespmem:s6], [sflag:$0x2], $0x10000, $0x38;
	[tilespmem:$0x10200] =	vst v63  }
0x1d: {  	_ =	swait.ge [sflag:s3], $0x10000  }
0x1e: {  	[sflag:s3] =	ssyncset.done $0x0  }
.LBB2_2:
0x1f: {  	[sflag:s3] =	ssyncadd.s32 $0xFFFF0000  }
0x20: {  	_ =	sfence.sel $0x180000  }
0x21: {  	[bflag:$0x0] =	sbarrier.arrive $0xFFFF  }
0x22: {  	p0 =	sne.s32 s0, $0x0;
	_ =	strace $0x90000047  }
0x23: {  	s0 =	sadd.s32 @!p0 $0x100000, s1;
	[bflag:$0x2] =	sbarrier.arrive $0xFFFF  }
0x24: {  	[sflag:s0] =	ssyncadd.tile.s32 @!p0 $0x1;
	_ =	shalt  }
.Lfunc_end2:
_tile_overlayer_lowered:
.L_overlay_start_2:
0x25: {  	(tag) =	ssettag $0x2  }
0x26: {  	s0 =	rddreg [dreg:$0x0];
	s2 =	stileid.u32  }
0x27: {  	s1 =	rddreg [dreg:$0x1];
	p0 =	sne.s32 s2, $0x0  }
0x28: {  	s3 =	rddreg [dreg:$0x2];
	[bflag:$0x3] =	sbarrier.arrive $0xFFFF;
	s2 =	simm.s32 @!p0 $0x1C02  }
0x29: {  	[timem:s3], [sflag:s2] =	dma.local @!p0 [hbm:s0], s1  }
0x2a: {  	s0 =	simm.s32 @!p0 $0x2  }
0x2b: {  	_ =	swait.ge @!p0 [sflag:s0], s1  }
0x2c: {  	s1 =	ssub.s32 @!p0 $0x0, s1;
	[sflag:s0] =	ssyncset.done @!p0 $0x0  }
0x2d: {  	[sflag:s0] =	ssyncadd.s32 @!p0 s1  }
0x2e: {  	[bflag:$0x3] =	sbarrier.arrive $0xFFFF  }
0x2f: {  	_ =	shalt  }

</sc_bundles>
